<compile_context>
chip_gen: v7x
topology: tpu7x:2x2x1
jax: 0.10.2.dev20260603
libtpu: 0.0.44.dev20260713+nightly
codegen_flags: <defaults>
</compile_context>

<pallas_src>
import functools

import jax
import jax.numpy as jnp
from jax import lax
from jax.experimental import pallas as pl
from jax.experimental.pallas import tpu as pltpu
from jax.experimental.pallas import tpu_sc as plsc

N_NODES = 10000
N_EDGES = 160000
F = 256
H = 128
NC = 2
NS = 16
CHUNK = 64
NGW = 10
WINDOWS = 16
GROUPS = NGW * WINDOWS
NBUF = 5
E_PAD = NS * GROUPS * CHUNK
AGG_ROWS = 10240
ZROWS = AGG_ROWS // NS


def _mm1_body(x_ref, w_ref, b_ref, out_ref):
    acc = jnp.dot(x_ref[...], w_ref[...], preferred_element_type=jnp.float32)
    acc = jnp.maximum(acc + b_ref[...], 0.0)
    out_ref[0] = acc[:, :H]
    out_ref[1] = acc[:, H:]


def _mm1(x, w1, b1):
    bm = 2000
    grid = (N_NODES // bm,)
    return pl.pallas_call(
        _mm1_body,
        grid=grid,
        in_specs=[
            pl.BlockSpec((bm, F), lambda i: (i, 0)),
            pl.BlockSpec((F, F), lambda i: (0, 0)),
            pl.BlockSpec((1, F), lambda i: (0, 0)),
        ],
        out_specs=pl.BlockSpec((2, bm, H), lambda i: (0, i, 0)),
        out_shape=jax.ShapeDtypeStruct((2, N_NODES, H), jnp.float32),
    )(x, w1, b1)


def _mm2_body(a_ref, w_ref, b_ref, out_ref):
    acc = jnp.dot(a_ref[0], w_ref[:H, :], preferred_element_type=jnp.float32)
    acc += jnp.dot(a_ref[1], w_ref[H:, :], preferred_element_type=jnp.float32)
    out_ref[...] = jnp.maximum(acc + b_ref[...], 0.0)


def _mm2(agg2, w2, b2):
    bm = 2000
    grid = (N_NODES // bm,)
    return pl.pallas_call(
        _mm2_body,
        grid=grid,
        in_specs=[
            pl.BlockSpec((2, bm, H), lambda i: (0, i, 0)),
            pl.BlockSpec((F, F), lambda i: (0, 0)),
            pl.BlockSpec((1, F), lambda i: (0, 0)),
        ],
        out_specs=pl.BlockSpec((bm, F), lambda i: (i, 0)),
        out_shape=jax.ShapeDtypeStruct((N_NODES, F), jnp.float32),
    )(agg2, w2, b2)


def _sc_body(h_hbm, sd_hbm, z_hbm, agg_hbm, agg_sh, rows_v, idx_v, *sems):
    gse = sems[0:NBUF]
    sse = sems[NBUF:2 * NBUF]
    c = lax.axis_index("c")
    s = lax.axis_index("s")
    w = c * NS + s

    pltpu.sync_copy(z_hbm, agg_sh.at[pl.ds(s * ZROWS, ZROWS)])
    plsc.subcore_barrier()

    def gather_start(i, p):
        return pltpu.async_copy(h_hbm.at[idx_v.at[2 * i]], rows_v.at[p],
                                gse[p])

    def scatter_start(i, p):
        return pltpu.async_copy(rows_v.at[p], agg_sh.at[idx_v.at[2 * i + 1]],
                                sse[p], add=True)

    def window(win, carry):
        pltpu.sync_copy(sd_hbm.at[w * WINDOWS + win], idx_v)
        gd = [None] * NGW
        sd = [None] * NGW
        for i in range(NGW + NBUF):
            jw = i - NBUF
            if 0 <= jw < NGW:
                sd[jw].wait()
            if i < NGW:
                gd[i] = gather_start(i, i % NBUF)
            jd = i - (NBUF - 1)
            if 0 <= jd < NGW:
                gd[jd].wait()
                sd[jd] = scatter_start(jd, jd % NBUF)
        return carry

    lax.fori_loop(0, WINDOWS, window, 0)
    plsc.subcore_barrier()

    pltpu.sync_copy(agg_sh.at[pl.ds(s * ZROWS, ZROWS)],
                    agg_hbm.at[pl.ds(c * AGG_ROWS + s * ZROWS, ZROWS)])


_sc_segsum = functools.partial(
    pl.kernel,
    out_type=jax.ShapeDtypeStruct((NC * AGG_ROWS, H), jnp.float32),
    mesh=plsc.VectorSubcoreMesh(core_axis_name="c", subcore_axis_name="s"),
    scratch_types=[
        pltpu.VMEM_SHARED((AGG_ROWS, H), jnp.float32),
        pltpu.VMEM((NBUF, CHUNK, H), jnp.float32),
        pltpu.VMEM((NGW * 2, CHUNK), jnp.int32),
    ] + [pltpu.SemaphoreType.DMA] * (2 * NBUF),
)(_sc_body)


def kernel(x, edge_index, W1, b1, W2, b2):
    src = edge_index[0].astype(jnp.int32)
    dst = edge_index[1].astype(jnp.int32)
    pad = E_PAD - N_EDGES
    srcp = jnp.concatenate([src, jnp.zeros((pad,), jnp.int32)])
    dstp = jnp.concatenate([dst, jnp.full((pad,), N_NODES, jnp.int32)])
    src_t = srcp.reshape(1, NS, WINDOWS, NGW, CHUNK)
    src_both = jnp.concatenate([src_t, src_t + N_NODES], axis=0)
    dst_t = jnp.broadcast_to(dstp.reshape(1, NS, WINDOWS, NGW, CHUNK),
                             (NC, NS, WINDOWS, NGW, CHUNK))
    sd = jnp.stack([src_both, dst_t], axis=4)
    sd = sd.reshape(NC * NS * WINDOWS, NGW * 2, CHUNK)
    zeros = jnp.zeros((ZROWS, H), jnp.float32)

    h2 = _mm1(x, W1, b1.reshape(1, F))
    agg_flat = _sc_segsum(h2.reshape(NC * N_NODES, H), sd, zeros)
    return _mm2(agg_flat.reshape(NC, AGG_ROWS, H), W2, b2.reshape(1, F))

# --- scband reference (transcript-rebuilt; emitter-appended) ---
"""Pipeline reference for scband-mplayer-45552423142053 (READ-ONLY COPY).

The authoritative reference and input builder live on the scoring server;
editing this copy changes nothing except your own understanding.
"""

import jax, jax.numpy as jnp
import numpy as np

N_NODES = 10000
N_EDGES = 160000
IN_FEATS = 256
OUT_FEATS = 256

def setup_inputs(seed: int = 0) -> dict:
    key = jax.random.key(seed)
    k1, k2, k3, k4, k5, k6 = jax.random.split(key, 6)
    x = jax.random.normal(k1, (N_NODES, IN_FEATS), dtype=jnp.float32)
    edge_index = jax.random.randint(k2, (2, N_EDGES), 0, N_NODES, dtype=jnp.int64)
    # message layer: Dense(in_feats) with relu
    W1 = jax.random.normal(k3, (IN_FEATS, IN_FEATS), dtype=jnp.float32) * (1.0 / np.sqrt(IN_FEATS))
    b1 = jnp.zeros((IN_FEATS,), dtype=jnp.float32)
    # output layer: Dense(out_feats) with relu
    W2 = jax.random.normal(k4, (IN_FEATS, OUT_FEATS), dtype=jnp.float32) * (1.0 / np.sqrt(IN_FEATS))
    b2 = jnp.zeros((OUT_FEATS,), dtype=jnp.float32)
    return {"x": x, "edge_index": edge_index, "W1": W1, "b1": b1, "W2": W2, "b2": b2}

def reference(x, edge_index, W1, b1, W2, b2):
    src = edge_index[0]
    dst = edge_index[1]
    # message: relu(Dense(in_feats)(src feats)) per edge
    src_feats = jnp.take(x, src, axis=0)
    msg = jax.nn.relu(src_feats @ W1 + b1)
    # reduce: sum messages at each dst node
    agg = jax.ops.segment_sum(msg, dst, num_segments=x.shape[0])
    # output transform: relu(Dense(out_feats)(node_feats))
    out = jax.nn.relu(agg @ W2 + b2)
    return out

if __name__ == "__main__":
    import jax
    _d = setup_inputs()
    print(jax.jit(kernel)(*tuple(_d.values())))

</pallas_src>

<mosaic_0001>
#map = affine_map<(d0, d1) -> (0, 0)>
#map1 = affine_map<(d0, d1) -> (0, 0, 0)>
module attributes {stable_mosaic.version = 14 : i64} {
  func.func @_sc_body(%arg0: i32, %arg1: i32, %arg2: memref<20000x128xf32, #tpu.memory_space<hbm>>, %arg3: memref<512x20x64xi32, #tpu.memory_space<hbm>>, %arg4: memref<640x128xf32, #tpu.memory_space<hbm>>, %arg5: memref<20480x128xf32, #tpu.memory_space<hbm>>, %arg6: memref<10240x128xf32, #tpu.memory_space<vmem_shared>>, %arg7: memref<5x64x128xf32, #tpu.memory_space<vmem>>, %arg8: memref<20x64xi32, #tpu.memory_space<vmem>>, %arg9: memref<!tpu.dma_semaphore, #tpu.memory_space<semaphore_mem>>, %arg10: memref<!tpu.dma_semaphore, #tpu.memory_space<semaphore_mem>>, %arg11: memref<!tpu.dma_semaphore, #tpu.memory_space<semaphore_mem>>, %arg12: memref<!tpu.dma_semaphore, #tpu.memory_space<semaphore_mem>>, %arg13: memref<!tpu.dma_semaphore, #tpu.memory_space<semaphore_mem>>, %arg14: memref<!tpu.dma_semaphore, #tpu.memory_space<semaphore_mem>>, %arg15: memref<!tpu.dma_semaphore, #tpu.memory_space<semaphore_mem>>, %arg16: memref<!tpu.dma_semaphore, #tpu.memory_space<semaphore_mem>>, %arg17: memref<!tpu.dma_semaphore, #tpu.memory_space<semaphore_mem>>, %arg18: memref<!tpu.dma_semaphore, #tpu.memory_space<semaphore_mem>>) attributes {dimension_semantics = [#tpu.dimension_semantics<core_parallel>, #tpu.dimension_semantics<subcore_parallel>], iteration_bounds = array<i64: 2, 16>, scalar_prefetch = 0 : i64, scratch_operands = 13 : i64, tpu.core_type = #tpu.core_type<sc_vector_subcore>, window_params = [{transform_indices = #map}, {transform_indices = #map1}, {transform_indices = #map}, {transform_indices = #map}]} {
    %mul3A = arith.constant 16 : i32
    %mul3A_0 = arith.muli %arg0, %mul3A : i32
    %add3A = arith.addi %mul3A_0, %arg1 : i32
    %mul3A_1 = arith.constant 640 : i32
    %mul3A_2 = arith.muli %arg1, %mul3A_1 : i32
    "tpu.region"() ({
      %run_scoped3A = tpu.sem_alloc : memref<!tpu.dma_semaphore, #tpu.memory_space<semaphore_mem>>
      %dma_start3A = arith.constant 0 : i32
      %dma_start3A_16 = tpu.memref_slice %arg6[%mul3A_2, %dma_start3A] : memref<10240x128xf32, #tpu.memory_space<vmem_shared>> -> memref<640x128xf32, #tpu.memory_space<vmem_shared>>
      tpu.enqueue_dma source(%arg4 : memref<640x128xf32, #tpu.memory_space<hbm>>) target(%dma_start3A_16 : memref<640x128xf32, #tpu.memory_space<vmem_shared>>) target_semaphore(%run_scoped3A : memref<!tpu.dma_semaphore, #tpu.memory_space<semaphore_mem>>)
      %dma_wait3A = arith.constant 0 : i32
      %dma_wait3A_17 = tpu.memref_slice %arg6[%mul3A_2, %dma_wait3A] : memref<10240x128xf32, #tpu.memory_space<vmem_shared>> -> memref<640x128xf32, #tpu.memory_space<vmem_shared>>
      tpu.wait_dma2 semaphore(%run_scoped3A : memref<!tpu.dma_semaphore, #tpu.memory_space<semaphore_mem>>) src(%arg4 : memref<640x128xf32, #tpu.memory_space<hbm>>) dst(%dma_wait3A_17 : memref<640x128xf32, #tpu.memory_space<vmem_shared>>)
      tpu.yield
    }) : () -> ()
    %barrier3A = arith.constant 0 : index
    tpu.barrier barrier_id(%barrier3A)
    %scan3A = arith.constant 0 : i32
    %scan3A_3 = arith.constant 0 : i32
    %scan3A_4 = arith.constant 16 : i32
    %scan3A_5 = arith.addi %scan3A_3, %scan3A_4 : i32
    %scan3A_6 = arith.constant 1 : i32
    scf.for %scan3A_16 = %scan3A_3 to %scan3A_5 step %scan3A_6  : i32 {
      %mul3A_17 = arith.constant 16 : i32
      %mul3A_18 = arith.muli %add3A, %mul3A_17 : i32
      %add3A_19 = arith.addi %mul3A_18, %scan3A_16 : i32
      "tpu.region"() ({
        %run_scoped3A = tpu.sem_alloc : memref<!tpu.dma_semaphore, #tpu.memory_space<semaphore_mem>>
        %dma_start3A_498 = arith.constant 0 : i32
        %dma_start3A_499 = arith.constant 0 : i32
        %dma_start3A_500 = tpu.memref_slice %arg3[%add3A_19, %dma_start3A_498, %dma_start3A_499] : memref<512x20x64xi32, #tpu.memory_space<hbm>> -> memref<1x20x64xi32, #tpu.memory_space<hbm>>
        %dma_start3A_501 = tpu.memref_squeeze %dma_start3A_500 : memref<1x20x64xi32, #tpu.memory_space<hbm>> -> memref<20x64xi32, #tpu.memory_space<hbm>>
        %dma_start3A_502 = arith.constant 0 : i32
        %dma_start3A_503 = arith.constant 0 : i32
        %dma_start3A_504 = tpu.memref_slice %arg3[%add3A_19, %dma_start3A_502, %dma_start3A_503] : memref<512x20x64xi32, #tpu.memory_space<hbm>> -> memref<1x20x64xi32, #tpu.memory_space<hbm>>
        %dma_start3A_505 = tpu.memref_squeeze %dma_start3A_504 : memref<1x20x64xi32, #tpu.memory_space<hbm>> -> memref<20x64xi32, #tpu.memory_space<hbm>>
        tpu.enqueue_dma source(%dma_start3A_505 : memref<20x64xi32, #tpu.memory_space<hbm>>) target(%arg8 : memref<20x64xi32, #tpu.memory_space<vmem>>) target_semaphore(%run_scoped3A : memref<!tpu.dma_semaphore, #tpu.memory_space<semaphore_mem>>)
        %dma_wait3A_506 = arith.constant 0 : i32
        %dma_wait3A_507 = arith.constant 0 : i32
        %dma_wait3A_508 = tpu.memref_slice %arg3[%add3A_19, %dma_wait3A_506, %dma_wait3A_507] : memref<512x20x64xi32, #tpu.memory_space<hbm>> -> memref<1x20x64xi32, #tpu.memory_space<hbm>>
        %dma_wait3A_509 = tpu.memref_squeeze %dma_wait3A_508 : memref<1x20x64xi32, #tpu.memory_space<hbm>> -> memref<20x64xi32, #tpu.memory_space<hbm>>
        %dma_wait3A_510 = arith.constant 0 : i32
        %dma_wait3A_511 = arith.constant 0 : i32
        %dma_wait3A_512 = tpu.memref_slice %arg3[%add3A_19, %dma_wait3A_510, %dma_wait3A_511] : memref<512x20x64xi32, #tpu.memory_space<hbm>> -> memref<1x20x64xi32, #tpu.memory_space<hbm>>
        %dma_wait3A_513 = tpu.memref_squeeze %dma_wait3A_512 : memref<1x20x64xi32, #tpu.memory_space<hbm>> -> memref<20x64xi32, #tpu.memory_space<hbm>>
        tpu.wait_dma2 semaphore(%run_scoped3A : memref<!tpu.dma_semaphore, #tpu.memory_space<semaphore_mem>>) src(%dma_wait3A_513 : memref<20x64xi32, #tpu.memory_space<hbm>>) dst(%arg8 : memref<20x64xi32, #tpu.memory_space<vmem>>)
        tpu.yield
      }) : () -> ()
      %dma_start3A = arith.constant 0 : i32
      %dma_start3A_20 = arith.constant 0 : i32
      %dma_start3A_21 = arith.constant 0 : i32
      %dma_start3A_22 = arith.constant 0 : i32
      %dma_start3A_23 = tpu.memref_slice %arg7[%dma_start3A_20, %dma_start3A_21, %dma_start3A_22] : memref<5x64x128xf32, #tpu.memory_space<vmem>> -> memref<1x64x128xf32, #tpu.memory_space<vmem>>
      %dma_start3A_24 = tpu.memref_squeeze %dma_start3A_23 : memref<1x64x128xf32, #tpu.memory_space<vmem>> -> memref<64x128xf32, #tpu.memory_space<vmem>>
      %dma_start3A_25 = arith.constant 0 : i32
      %dma_start3A_26 = tpu.memref_slice %arg8[%dma_start3A, %dma_start3A_25] : memref<20x64xi32, #tpu.memory_space<vmem>> -> memref<1x64xi32, #tpu.memory_space<vmem>>
      %dma_start3A_27 = tpu.memref_squeeze %dma_start3A_26 : memref<1x64xi32, #tpu.memory_space<vmem>> -> memref<64xi32, #tpu.memory_space<vmem>>
      %dma_start3A_28 = arith.constant 0 : i32
      %dma_start3A_29 = arith.constant 0 : i32
      %dma_start3A_30 = tpu.memref_slice %arg2[%dma_start3A_28, %dma_start3A_29] : memref<20000x128xf32, #tpu.memory_space<hbm>> -> memref<20000x128xf32, #tpu.memory_space<hbm>>
      tpu.enqueue_indirect_dma source(%dma_start3A_30 : memref<20000x128xf32, #tpu.memory_space<hbm>>) target(%dma_start3A_24 : memref<64x128xf32, #tpu.memory_space<vmem>>) offsets(%dma_start3A_27 : memref<64xi32, #tpu.memory_space<vmem>>) semaphore(%arg9 : memref<!tpu.dma_semaphore, #tpu.memory_space<semaphore_mem>>)
      %dma_start3A_31 = arith.constant 2 : i32
      %dma_start3A_32 = arith.constant 1 : i32
      %dma_start3A_33 = arith.constant 0 : i32
      %dma_start3A_34 = arith.constant 0 : i32
      %dma_start3A_35 = tpu.memref_slice %arg7[%dma_start3A_32, %dma_start3A_33, %dma_start3A_34] : memref<5x64x128xf32, #tpu.memory_space<vmem>> -> memref<1x64x128xf32, #tpu.memory_space<vmem>>
      %dma_start3A_36 = tpu.memref_squeeze %dma_start3A_35 : memref<1x64x128xf32, #tpu.memory_space<vmem>> -> memref<64x128xf32, #tpu.memory_space<vmem>>
      %dma_start3A_37 = arith.constant 0 : i32
      %dma_start3A_38 = tpu.memref_slice %arg8[%dma_start3A_31, %dma_start3A_37] : memref<20x64xi32, #tpu.memory_space<vmem>> -> memref<1x64xi32, #tpu.memory_space<vmem>>
      %dma_start3A_39 = tpu.memref_squeeze %dma_start3A_38 : memref<1x64xi32, #tpu.memory_space<vmem>> -> memref<64xi32, #tpu.memory_space<vmem>>
      %dma_start3A_40 = arith.constant 0 : i32
      %dma_start3A_41 = arith.constant 0 : i32
      %dma_start3A_42 = tpu.memref_slice %arg2[%dma_start3A_40, %dma_start3A_41] : memref<20000x128xf32, #tpu.memory_space<hbm>> -> memref<20000x128xf32, #tpu.memory_space<hbm>>
      tpu.enqueue_indirect_dma source(%dma_start3A_42 : memref<20000x128xf32, #tpu.memory_space<hbm>>) target(%dma_start3A_36 : memref<64x128xf32, #tpu.memory_space<vmem>>) offsets(%dma_start3A_39 : memref<64xi32, #tpu.memory_space<vmem>>) semaphore(%arg10 : memref<!tpu.dma_semaphore, #tpu.memory_space<semaphore_mem>>)
      %dma_start3A_43 = arith.constant 4 : i32
      %dma_start3A_44 = arith.constant 2 : i32
      %dma_start3A_45 = arith.constant 0 : i32
      %dma_start3A_46 = arith.constant 0 : i32
      %dma_start3A_47 = tpu.memref_slice %arg7[%dma_start3A_44, %dma_start3A_45, %dma_start3A_46] : memref<5x64x128xf32, #tpu.memory_space<vmem>> -> memref<1x64x128xf32, #tpu.memory_space<vmem>>
      %dma_start3A_48 = tpu.memref_squeeze %dma_start3A_47 : memref<1x64x128xf32, #tpu.memory_space<vmem>> -> memref<64x128xf32, #tpu.memory_space<vmem>>
      %dma_start3A_49 = arith.constant 0 : i32
      %dma_start3A_50 = tpu.memref_slice %arg8[%dma_start3A_43, %dma_start3A_49] : memref<20x64xi32, #tpu.memory_space<vmem>> -> memref<1x64xi32, #tpu.memory_space<vmem>>
      %dma_start3A_51 = tpu.memref_squeeze %dma_start3A_50 : memref<1x64xi32, #tpu.memory_space<vmem>> -> memref<64xi32, #tpu.memory_space<vmem>>
      %dma_start3A_52 = arith.constant 0 : i32
      %dma_start3A_53 = arith.constant 0 : i32
      %dma_start3A_54 = tpu.memref_slice %arg2[%dma_start3A_52, %dma_start3A_53] : memref<20000x128xf32, #tpu.memory_space<hbm>> -> memref<20000x128xf32, #tpu.memory_space<hbm>>
      tpu.enqueue_indirect_dma source(%dma_start3A_54 : memref<20000x128xf32, #tpu.memory_space<hbm>>) target(%dma_start3A_48 : memref<64x128xf32, #tpu.memory_space<vmem>>) offsets(%dma_start3A_51 : memref<64xi32, #tpu.memory_space<vmem>>) semaphore(%arg11 : memref<!tpu.dma_semaphore, #tpu.memory_space<semaphore_mem>>)
      %dma_start3A_55 = arith.constant 6 : i32
      %dma_start3A_56 = arith.constant 3 : i32
      %dma_start3A_57 = arith.constant 0 : i32
      %dma_start3A_58 = arith.constant 0 : i32
      %dma_start3A_59 = tpu.memref_slice %arg7[%dma_start3A_56, %dma_start3A_57, %dma_start3A_58] : memref<5x64x128xf32, #tpu.memory_space<vmem>> -> memref<1x64x128xf32, #tpu.memory_space<vmem>>
      %dma_start3A_60 = tpu.memref_squeeze %dma_start3A_59 : memref<1x64x128xf32, #tpu.memory_space<vmem>> -> memref<64x128xf32, #tpu.memory_space<vmem>>
      %dma_start3A_61 = arith.constant 0 : i32
      %dma_start3A_62 = tpu.memref_slice %arg8[%dma_start3A_55, %dma_start3A_61] : memref<20x64xi32, #tpu.memory_space<vmem>> -> memref<1x64xi32, #tpu.memory_space<vmem>>
      %dma_start3A_63 = tpu.memref_squeeze %dma_start3A_62 : memref<1x64xi32, #tpu.memory_space<vmem>> -> memref<64xi32, #tpu.memory_space<vmem>>
      %dma_start3A_64 = arith.constant 0 : i32
      %dma_start3A_65 = arith.constant 0 : i32
      %dma_start3A_66 = tpu.memref_slice %arg2[%dma_start3A_64, %dma_start3A_65] : memref<20000x128xf32, #tpu.memory_space<hbm>> -> memref<20000x128xf32, #tpu.memory_space<hbm>>
      tpu.enqueue_indirect_dma source(%dma_start3A_66 : memref<20000x128xf32, #tpu.memory_space<hbm>>) target(%dma_start3A_60 : memref<64x128xf32, #tpu.memory_space<vmem>>) offsets(%dma_start3A_63 : memref<64xi32, #tpu.memory_space<vmem>>) semaphore(%arg12 : memref<!tpu.dma_semaphore, #tpu.memory_space<semaphore_mem>>)
      %dma_start3A_67 = arith.constant 8 : i32
      %dma_start3A_68 = arith.constant 4 : i32
      %dma_start3A_69 = arith.constant 0 : i32
      %dma_start3A_70 = arith.constant 0 : i32
      %dma_start3A_71 = tpu.memref_slice %arg7[%dma_start3A_68, %dma_start3A_69, %dma_start3A_70] : memref<5x64x128xf32, #tpu.memory_space<vmem>> -> memref<1x64x128xf32, #tpu.memory_space<vmem>>
      %dma_start3A_72 = tpu.memref_squeeze %dma_start3A_71 : memref<1x64x128xf32, #tpu.memory_space<vmem>> -> memref<64x128xf32, #tpu.memory_space<vmem>>
      %dma_start3A_73 = arith.constant 0 : i32
      %dma_start3A_74 = tpu.memref_slice %arg8[%dma_start3A_67, %dma_start3A_73] : memref<20x64xi32, #tpu.memory_space<vmem>> -> memref<1x64xi32, #tpu.memory_space<vmem>>
      %dma_start3A_75 = tpu.memref_squeeze %dma_start3A_74 : memref<1x64xi32, #tpu.memory_space<vmem>> -> memref<64xi32, #tpu.memory_space<vmem>>
      %dma_start3A_76 = arith.constant 0 : i32
      %dma_start3A_77 = arith.constant 0 : i32
      %dma_start3A_78 = tpu.memref_slice %arg2[%dma_start3A_76, %dma_start3A_77] : memref<20000x128xf32, #tpu.memory_space<hbm>> -> memref<20000x128xf32, #tpu.memory_space<hbm>>
      tpu.enqueue_indirect_dma source(%dma_start3A_78 : memref<20000x128xf32, #tpu.memory_space<hbm>>) target(%dma_start3A_72 : memref<64x128xf32, #tpu.memory_space<vmem>>) offsets(%dma_start3A_75 : memref<64xi32, #tpu.memory_space<vmem>>) semaphore(%arg13 : memref<!tpu.dma_semaphore, #tpu.memory_space<semaphore_mem>>)
      %dma_wait3A = arith.constant 0 : i32
      %dma_wait3A_79 = arith.constant 0 : i32
      %dma_wait3A_80 = arith.constant 0 : i32
      %dma_wait3A_81 = arith.constant 0 : i32
      %dma_wait3A_82 = tpu.memref_slice %arg7[%dma_wait3A_79, %dma_wait3A_80, %dma_wait3A_81] : memref<5x64x128xf32, #tpu.memory_space<vmem>> -> memref<1x64x128xf32, #tpu.memory_space<vmem>>
      %dma_wait3A_83 = tpu.memref_squeeze %dma_wait3A_82 : memref<1x64x128xf32, #tpu.memory_space<vmem>> -> memref<64x128xf32, #tpu.memory_space<vmem>>
      %dma_wait3A_84 = arith.constant 0 : i32
      %dma_wait3A_85 = tpu.memref_slice %arg8[%dma_wait3A, %dma_wait3A_84] : memref<20x64xi32, #tpu.memory_space<vmem>> -> memref<1x64xi32, #tpu.memory_space<vmem>>
      %dma_wait3A_86 = tpu.memref_squeeze %dma_wait3A_85 : memref<1x64xi32, #tpu.memory_space<vmem>> -> memref<64xi32, #tpu.memory_space<vmem>>
      %dma_wait3A_87 = arith.constant 0 : i32
      %dma_wait3A_88 = arith.constant 0 : i32
      %dma_wait3A_89 = tpu.memref_slice %arg2[%dma_wait3A_87, %dma_wait3A_88] : memref<20000x128xf32, #tpu.memory_space<hbm>> -> memref<20000x128xf32, #tpu.memory_space<hbm>>
      tpu.wait_indirect_dma semaphore(%arg9 : memref<!tpu.dma_semaphore, #tpu.memory_space<semaphore_mem>>) src(%dma_wait3A_89 : memref<20000x128xf32, #tpu.memory_space<hbm>>) dst(%dma_wait3A_83 : memref<64x128xf32, #tpu.memory_space<vmem>>)
      %dma_start3A_90 = arith.constant 0 : i32
      %dma_start3A_91 = arith.constant 1 : i32
      %dma_start3A_92 = arith.constant 0 : i32
      %dma_start3A_93 = arith.constant 0 : i32
      %dma_start3A_94 = tpu.memref_slice %arg7[%dma_start3A_90, %dma_start3A_92, %dma_start3A_93] : memref<5x64x128xf32, #tpu.memory_space<vmem>> -> memref<1x64x128xf32, #tpu.memory_space<vmem>>
      %dma_start3A_95 = tpu.memref_squeeze %dma_start3A_94 : memref<1x64x128xf32, #tpu.memory_space<vmem>> -> memref<64x128xf32, #tpu.memory_space<vmem>>
      %dma_start3A_96 = arith.constant 0 : i32
      %dma_start3A_97 = tpu.memref_slice %arg8[%dma_start3A_91, %dma_start3A_96] : memref<20x64xi32, #tpu.memory_space<vmem>> -> memref<1x64xi32, #tpu.memory_space<vmem>>
      %dma_start3A_98 = tpu.memref_squeeze %dma_start3A_97 : memref<1x64xi32, #tpu.memory_space<vmem>> -> memref<64xi32, #tpu.memory_space<vmem>>
      %dma_start3A_99 = arith.constant 0 : i32
      %dma_start3A_100 = arith.constant 0 : i32
      %dma_start3A_101 = tpu.memref_slice %arg6[%dma_start3A_99, %dma_start3A_100] : memref<10240x128xf32, #tpu.memory_space<vmem_shared>> -> memref<10240x128xf32, #tpu.memory_space<vmem_shared>>
      tpu.enqueue_indirect_dma source(%dma_start3A_95 : memref<64x128xf32, #tpu.memory_space<vmem>>) target(%dma_start3A_101 : memref<10240x128xf32, #tpu.memory_space<vmem_shared>>) offsets(%dma_start3A_98 : memref<64xi32, #tpu.memory_space<vmem>>) semaphore(%arg14 : memref<!tpu.dma_semaphore, #tpu.memory_space<semaphore_mem>>) {add = true}
      %dma_wait3A_102 = arith.constant 0 : i32
      %dma_wait3A_103 = arith.constant 1 : i32
      %dma_wait3A_104 = arith.constant 0 : i32
      %dma_wait3A_105 = arith.constant 0 : i32
      %dma_wait3A_106 = tpu.memref_slice %arg7[%dma_wait3A_102, %dma_wait3A_104, %dma_wait3A_105] : memref<5x64x128xf32, #tpu.memory_space<vmem>> -> memref<1x64x128xf32, #tpu.memory_space<vmem>>
      %dma_wait3A_107 = tpu.memref_squeeze %dma_wait3A_106 : memref<1x64x128xf32, #tpu.memory_space<vmem>> -> memref<64x128xf32, #tpu.memory_space<vmem>>
      %dma_wait3A_108 = arith.constant 0 : i32
      %dma_wait3A_109 = tpu.memref_slice %arg8[%dma_wait3A_103, %dma_wait3A_108] : memref<20x64xi32, #tpu.memory_space<vmem>> -> memref<1x64xi32, #tpu.memory_space<vmem>>
      %dma_wait3A_110 = tpu.memref_squeeze %dma_wait3A_109 : memref<1x64xi32, #tpu.memory_space<vmem>> -> memref<64xi32, #tpu.memory_space<vmem>>
      %dma_wait3A_111 = arith.constant 0 : i32
      %dma_wait3A_112 = arith.constant 0 : i32
      %dma_wait3A_113 = tpu.memref_slice %arg6[%dma_wait3A_111, %dma_wait3A_112] : memref<10240x128xf32, #tpu.memory_space<vmem_shared>> -> memref<10240x128xf32, #tpu.memory_space<vmem_shared>>
      tpu.wait_indirect_dma semaphore(%arg14 : memref<!tpu.dma_semaphore, #tpu.memory_space<semaphore_mem>>) src(%dma_wait3A_107 : memref<64x128xf32, #tpu.memory_space<vmem>>) dst(%dma_wait3A_113 : memref<10240x128xf32, #tpu.memory_space<vmem_shared>>)
      %dma_start3A_114 = arith.constant 10 : i32
      %dma_start3A_115 = arith.constant 0 : i32
      %dma_start3A_116 = arith.constant 0 : i32
      %dma_start3A_117 = arith.constant 0 : i32
      %dma_start3A_118 = tpu.memref_slice %arg7[%dma_start3A_115, %dma_start3A_116, %dma_start3A_117] : memref<5x64x128xf32, #tpu.memory_space<vmem>> -> memref<1x64x128xf32, #tpu.memory_space<vmem>>
      %dma_start3A_119 = tpu.memref_squeeze %dma_start3A_118 : memref<1x64x128xf32, #tpu.memory_space<vmem>> -> memref<64x128xf32, #tpu.memory_space<vmem>>
      %dma_start3A_120 = arith.constant 0 : i32
      %dma_start3A_121 = tpu.memref_slice %arg8[%dma_start3A_114, %dma_start3A_120] : memref<20x64xi32, #tpu.memory_space<vmem>> -> memref<1x64xi32, #tpu.memory_space<vmem>>
      %dma_start3A_122 = tpu.memref_squeeze %dma_start3A_121 : memref<1x64xi32, #tpu.memory_space<vmem>> -> memref<64xi32, #tpu.memory_space<vmem>>
      %dma_start3A_123 = arith.constant 0 : i32
      %dma_start3A_124 = arith.constant 0 : i32
      %dma_start3A_125 = tpu.memref_slice %arg2[%dma_start3A_123, %dma_start3A_124] : memref<20000x128xf32, #tpu.memory_space<hbm>> -> memref<20000x128xf32, #tpu.memory_space<hbm>>
      tpu.enqueue_indirect_dma source(%dma_start3A_125 : memref<20000x128xf32, #tpu.memory_space<hbm>>) target(%dma_start3A_119 : memref<64x128xf32, #tpu.memory_space<vmem>>) offsets(%dma_start3A_122 : memref<64xi32, #tpu.memory_space<vmem>>) semaphore(%arg9 : memref<!tpu.dma_semaphore, #tpu.memory_space<semaphore_mem>>)
      %dma_wait3A_126 = arith.constant 2 : i32
      %dma_wait3A_127 = arith.constant 1 : i32
      %dma_wait3A_128 = arith.constant 0 : i32
      %dma_wait3A_129 = arith.constant 0 : i32
      %dma_wait3A_130 = tpu.memref_slice %arg7[%dma_wait3A_127, %dma_wait3A_128, %dma_wait3A_129] : memref<5x64x128xf32, #tpu.memory_space<vmem>> -> memref<1x64x128xf32, #tpu.memory_space<vmem>>
      %dma_wait3A_131 = tpu.memref_squeeze %dma_wait3A_130 : memref<1x64x128xf32, #tpu.memory_space<vmem>> -> memref<64x128xf32, #tpu.memory_space<vmem>>
      %dma_wait3A_132 = arith.constant 0 : i32
      %dma_wait3A_133 = tpu.memref_slice %arg8[%dma_wait3A_126, %dma_wait3A_132] : memref<20x64xi32, #tpu.memory_space<vmem>> -> memref<1x64xi32, #tpu.memory_space<vmem>>
      %dma_wait3A_134 = tpu.memref_squeeze %dma_wait3A_133 : memref<1x64xi32, #tpu.memory_space<vmem>> -> memref<64xi32, #tpu.memory_space<vmem>>
      %dma_wait3A_135 = arith.constant 0 : i32
      %dma_wait3A_136 = arith.constant 0 : i32
      %dma_wait3A_137 = tpu.memref_slice %arg2[%dma_wait3A_135, %dma_wait3A_136] : memref<20000x128xf32, #tpu.memory_space<hbm>> -> memref<20000x128xf32, #tpu.memory_space<hbm>>
      tpu.wait_indirect_dma semaphore(%arg10 : memref<!tpu.dma_semaphore, #tpu.memory_space<semaphore_mem>>) src(%dma_wait3A_137 : memref<20000x128xf32, #tpu.memory_space<hbm>>) dst(%dma_wait3A_131 : memref<64x128xf32, #tpu.memory_space<vmem>>)
      %dma_start3A_138 = arith.constant 1 : i32
      %dma_start3A_139 = arith.constant 3 : i32
      %dma_start3A_140 = arith.constant 0 : i32
      %dma_start3A_141 = arith.constant 0 : i32
      %dma_start3A_142 = tpu.memref_slice %arg7[%dma_start3A_138, %dma_start3A_140, %dma_start3A_141] : memref<5x64x128xf32, #tpu.memory_space<vmem>> -> memref<1x64x128xf32, #tpu.memory_space<vmem>>
      %dma_start3A_143 = tpu.memref_squeeze %dma_start3A_142 : memref<1x64x128xf32, #tpu.memory_space<vmem>> -> memref<64x128xf32, #tpu.memory_space<vmem>>
      %dma_start3A_144 = arith.constant 0 : i32
      %dma_start3A_145 = tpu.memref_slice %arg8[%dma_start3A_139, %dma_start3A_144] : memref<20x64xi32, #tpu.memory_space<vmem>> -> memref<1x64xi32, #tpu.memory_space<vmem>>
      %dma_start3A_146 = tpu.memref_squeeze %dma_start3A_145 : memref<1x64xi32, #tpu.memory_space<vmem>> -> memref<64xi32, #tpu.memory_space<vmem>>
      %dma_start3A_147 = arith.constant 0 : i32
      %dma_start3A_148 = arith.constant 0 : i32
      %dma_start3A_149 = tpu.memref_slice %arg6[%dma_start3A_147, %dma_start3A_148] : memref<10240x128xf32, #tpu.memory_space<vmem_shared>> -> memref<10240x128xf32, #tpu.memory_space<vmem_shared>>
      tpu.enqueue_indirect_dma source(%dma_start3A_143 : memref<64x128xf32, #tpu.memory_space<vmem>>) target(%dma_start3A_149 : memref<10240x128xf32, #tpu.memory_space<vmem_shared>>) offsets(%dma_start3A_146 : memref<64xi32, #tpu.memory_space<vmem>>) semaphore(%arg15 : memref<!tpu.dma_semaphore, #tpu.memory_space<semaphore_mem>>) {add = true}
      %dma_wait3A_150 = arith.constant 1 : i32
      %dma_wait3A_151 = arith.constant 3 : i32
      %dma_wait3A_152 = arith.constant 0 : i32
      %dma_wait3A_153 = arith.constant 0 : i32
      %dma_wait3A_154 = tpu.memref_slice %arg7[%dma_wait3A_150, %dma_wait3A_152, %dma_wait3A_153] : memref<5x64x128xf32, #tpu.memory_space<vmem>> -> memref<1x64x128xf32, #tpu.memory_space<vmem>>
      %dma_wait3A_155 = tpu.memref_squeeze %dma_wait3A_154 : memref<1x64x128xf32, #tpu.memory_space<vmem>> -> memref<64x128xf32, #tpu.memory_space<vmem>>
      %dma_wait3A_156 = arith.constant 0 : i32
      %dma_wait3A_157 = tpu.memref_slice %arg8[%dma_wait3A_151, %dma_wait3A_156] : memref<20x64xi32, #tpu.memory_space<vmem>> -> memref<1x64xi32, #tpu.memory_space<vmem>>
      %dma_wait3A_158 = tpu.memref_squeeze %dma_wait3A_157 : memref<1x64xi32, #tpu.memory_space<vmem>> -> memref<64xi32, #tpu.memory_space<vmem>>
      %dma_wait3A_159 = arith.constant 0 : i32
      %dma_wait3A_160 = arith.constant 0 : i32
      %dma_wait3A_161 = tpu.memref_slice %arg6[%dma_wait3A_159, %dma_wait3A_160] : memref<10240x128xf32, #tpu.memory_space<vmem_shared>> -> memref<10240x128xf32, #tpu.memory_space<vmem_shared>>
      tpu.wait_indirect_dma semaphore(%arg15 : memref<!tpu.dma_semaphore, #tpu.memory_space<semaphore_mem>>) src(%dma_wait3A_155 : memref<64x128xf32, #tpu.memory_space<vmem>>) dst(%dma_wait3A_161 : memref<10240x128xf32, #tpu.memory_space<vmem_shared>>)
      %dma_start3A_162 = arith.constant 12 : i32
      %dma_start3A_163 = arith.constant 1 : i32
      %dma_start3A_164 = arith.constant 0 : i32
      %dma_start3A_165 = arith.constant 0 : i32
      %dma_start3A_166 = tpu.memref_slice %arg7[%dma_start3A_163, %dma_start3A_164, %dma_start3A_165] : memref<5x64x128xf32, #tpu.memory_space<vmem>> -> memref<1x64x128xf32, #tpu.memory_space<vmem>>
      %dma_start3A_167 = tpu.memref_squeeze %dma_start3A_166 : memref<1x64x128xf32, #tpu.memory_space<vmem>> -> memref<64x128xf32, #tpu.memory_space<vmem>>
      %dma_start3A_168 = arith.constant 0 : i32
      %dma_start3A_169 = tpu.memref_slice %arg8[%dma_start3A_162, %dma_start3A_168] : memref<20x64xi32, #tpu.memory_space<vmem>> -> memref<1x64xi32, #tpu.memory_space<vmem>>
      %dma_start3A_170 = tpu.memref_squeeze %dma_start3A_169 : memref<1x64xi32, #tpu.memory_space<vmem>> -> memref<64xi32, #tpu.memory_space<vmem>>
      %dma_start3A_171 = arith.constant 0 : i32
      %dma_start3A_172 = arith.constant 0 : i32
      %dma_start3A_173 = tpu.memref_slice %arg2[%dma_start3A_171, %dma_start3A_172] : memref<20000x128xf32, #tpu.memory_space<hbm>> -> memref<20000x128xf32, #tpu.memory_space<hbm>>
      tpu.enqueue_indirect_dma source(%dma_start3A_173 : memref<20000x128xf32, #tpu.memory_space<hbm>>) target(%dma_start3A_167 : memref<64x128xf32, #tpu.memory_space<vmem>>) offsets(%dma_start3A_170 : memref<64xi32, #tpu.memory_space<vmem>>) semaphore(%arg10 : memref<!tpu.dma_semaphore, #tpu.memory_space<semaphore_mem>>)
      %dma_wait3A_174 = arith.constant 4 : i32
      %dma_wait3A_175 = arith.constant 2 : i32
      %dma_wait3A_176 = arith.constant 0 : i32
      %dma_wait3A_177 = arith.constant 0 : i32
      %dma_wait3A_178 = tpu.memref_slice %arg7[%dma_wait3A_175, %dma_wait3A_176, %dma_wait3A_177] : memref<5x64x128xf32, #tpu.memory_space<vmem>> -> memref<1x64x128xf32, #tpu.memory_space<vmem>>
      %dma_wait3A_179 = tpu.memref_squeeze %dma_wait3A_178 : memref<1x64x128xf32, #tpu.memory_space<vmem>> -> memref<64x128xf32, #tpu.memory_space<vmem>>
      %dma_wait3A_180 = arith.constant 0 : i32
      %dma_wait3A_181 = tpu.memref_slice %arg8[%dma_wait3A_174, %dma_wait3A_180] : memref<20x64xi32, #tpu.memory_space<vmem>> -> memref<1x64xi32, #tpu.memory_space<vmem>>
      %dma_wait3A_182 = tpu.memref_squeeze %dma_wait3A_181 : memref<1x64xi32, #tpu.memory_space<vmem>> -> memref<64xi32, #tpu.memory_space<vmem>>
      %dma_wait3A_183 = arith.constant 0 : i32
      %dma_wait3A_184 = arith.constant 0 : i32
      %dma_wait3A_185 = tpu.memref_slice %arg2[%dma_wait3A_183, %dma_wait3A_184] : memref<20000x128xf32, #tpu.memory_space<hbm>> -> memref<20000x128xf32, #tpu.memory_space<hbm>>
      tpu.wait_indirect_dma semaphore(%arg11 : memref<!tpu.dma_semaphore, #tpu.memory_space<semaphore_mem>>) src(%dma_wait3A_185 : memref<20000x128xf32, #tpu.memory_space<hbm>>) dst(%dma_wait3A_179 : memref<64x128xf32, #tpu.memory_space<vmem>>)
      %dma_start3A_186 = arith.constant 2 : i32
      %dma_start3A_187 = arith.constant 5 : i32
      %dma_start3A_188 = arith.constant 0 : i32
      %dma_start3A_189 = arith.constant 0 : i32
      %dma_start3A_190 = tpu.memref_slice %arg7[%dma_start3A_186, %dma_start3A_188, %dma_start3A_189] : memref<5x64x128xf32, #tpu.memory_space<vmem>> -> memref<1x64x128xf32, #tpu.memory_space<vmem>>
      %dma_start3A_191 = tpu.memref_squeeze %dma_start3A_190 : memref<1x64x128xf32, #tpu.memory_space<vmem>> -> memref<64x128xf32, #tpu.memory_space<vmem>>
      %dma_start3A_192 = arith.constant 0 : i32
      %dma_start3A_193 = tpu.memref_slice %arg8[%dma_start3A_187, %dma_start3A_192] : memref<20x64xi32, #tpu.memory_space<vmem>> -> memref<1x64xi32, #tpu.memory_space<vmem>>
      %dma_start3A_194 = tpu.memref_squeeze %dma_start3A_193 : memref<1x64xi32, #tpu.memory_space<vmem>> -> memref<64xi32, #tpu.memory_space<vmem>>
      %dma_start3A_195 = arith.constant 0 : i32
      %dma_start3A_196 = arith.constant 0 : i32
      %dma_start3A_197 = tpu.memref_slice %arg6[%dma_start3A_195, %dma_start3A_196] : memref<10240x128xf32, #tpu.memory_space<vmem_shared>> -> memref<10240x128xf32, #tpu.memory_space<vmem_shared>>
      tpu.enqueue_indirect_dma source(%dma_start3A_191 : memref<64x128xf32, #tpu.memory_space<vmem>>) target(%dma_start3A_197 : memref<10240x128xf32, #tpu.memory_space<vmem_shared>>) offsets(%dma_start3A_194 : memref<64xi32, #tpu.memory_space<vmem>>) semaphore(%arg16 : memref<!tpu.dma_semaphore, #tpu.memory_space<semaphore_mem>>) {add = true}
      %dma_wait3A_198 = arith.constant 2 : i32
      %dma_wait3A_199 = arith.constant 5 : i32
      %dma_wait3A_200 = arith.constant 0 : i32
      %dma_wait3A_201 = arith.constant 0 : i32
      %dma_wait3A_202 = tpu.memref_slice %arg7[%dma_wait3A_198, %dma_wait3A_200, %dma_wait3A_201] : memref<5x64x128xf32, #tpu.memory_space<vmem>> -> memref<1x64x128xf32, #tpu.memory_space<vmem>>
      %dma_wait3A_203 = tpu.memref_squeeze %dma_wait3A_202 : memref<1x64x128xf32, #tpu.memory_space<vmem>> -> memref<64x128xf32, #tpu.memory_space<vmem>>
      %dma_wait3A_204 = arith.constant 0 : i32
      %dma_wait3A_205 = tpu.memref_slice %arg8[%dma_wait3A_199, %dma_wait3A_204] : memref<20x64xi32, #tpu.memory_space<vmem>> -> memref<1x64xi32, #tpu.memory_space<vmem>>
      %dma_wait3A_206 = tpu.memref_squeeze %dma_wait3A_205 : memref<1x64xi32, #tpu.memory_space<vmem>> -> memref<64xi32, #tpu.memory_space<vmem>>
      %dma_wait3A_207 = arith.constant 0 : i32
      %dma_wait3A_208 = arith.constant 0 : i32
      %dma_wait3A_209 = tpu.memref_slice %arg6[%dma_wait3A_207, %dma_wait3A_208] : memref<10240x128xf32, #tpu.memory_space<vmem_shared>> -> memref<10240x128xf32, #tpu.memory_space<vmem_shared>>
      tpu.wait_indirect_dma semaphore(%arg16 : memref<!tpu.dma_semaphore, #tpu.memory_space<semaphore_mem>>) src(%dma_wait3A_203 : memref<64x128xf32, #tpu.memory_space<vmem>>) dst(%dma_wait3A_209 : memref<10240x128xf32, #tpu.memory_space<vmem_shared>>)
      %dma_start3A_210 = arith.constant 14 : i32
      %dma_start3A_211 = arith.constant 2 : i32
      %dma_start3A_212 = arith.constant 0 : i32
      %dma_start3A_213 = arith.constant 0 : i32
      %dma_start3A_214 = tpu.memref_slice %arg7[%dma_start3A_211, %dma_start3A_212, %dma_start3A_213] : memref<5x64x128xf32, #tpu.memory_space<vmem>> -> memref<1x64x128xf32, #tpu.memory_space<vmem>>
      %dma_start3A_215 = tpu.memref_squeeze %dma_start3A_214 : memref<1x64x128xf32, #tpu.memory_space<vmem>> -> memref<64x128xf32, #tpu.memory_space<vmem>>
      %dma_start3A_216 = arith.constant 0 : i32
      %dma_start3A_217 = tpu.memref_slice %arg8[%dma_start3A_210, %dma_start3A_216] : memref<20x64xi32, #tpu.memory_space<vmem>> -> memref<1x64xi32, #tpu.memory_space<vmem>>
      %dma_start3A_218 = tpu.memref_squeeze %dma_start3A_217 : memref<1x64xi32, #tpu.memory_space<vmem>> -> memref<64xi32, #tpu.memory_space<vmem>>
      %dma_start3A_219 = arith.constant 0 : i32
      %dma_start3A_220 = arith.constant 0 : i32
      %dma_start3A_221 = tpu.memref_slice %arg2[%dma_start3A_219, %dma_start3A_220] : memref<20000x128xf32, #tpu.memory_space<hbm>> -> memref<20000x128xf32, #tpu.memory_space<hbm>>
      tpu.enqueue_indirect_dma source(%dma_start3A_221 : memref<20000x128xf32, #tpu.memory_space<hbm>>) target(%dma_start3A_215 : memref<64x128xf32, #tpu.memory_space<vmem>>) offsets(%dma_start3A_218 : memref<64xi32, #tpu.memory_space<vmem>>) semaphore(%arg11 : memref<!tpu.dma_semaphore, #tpu.memory_space<semaphore_mem>>)
      %dma_wait3A_222 = arith.constant 6 : i32
      %dma_wait3A_223 = arith.constant 3 : i32
      %dma_wait3A_224 = arith.constant 0 : i32
      %dma_wait3A_225 = arith.constant 0 : i32
      %dma_wait3A_226 = tpu.memref_slice %arg7[%dma_wait3A_223, %dma_wait3A_224, %dma_wait3A_225] : memref<5x64x128xf32, #tpu.memory_space<vmem>> -> memref<1x64x128xf32, #tpu.memory_space<vmem>>
      %dma_wait3A_227 = tpu.memref_squeeze %dma_wait3A_226 : memref<1x64x128xf32, #tpu.memory_space<vmem>> -> memref<64x128xf32, #tpu.memory_space<vmem>>
      %dma_wait3A_228 = arith.constant 0 : i32
      %dma_wait3A_229 = tpu.memref_slice %arg8[%dma_wait3A_222, %dma_wait3A_228] : memref<20x64xi32, #tpu.memory_space<vmem>> -> memref<1x64xi32, #tpu.memory_space<vmem>>
      %dma_wait3A_230 = tpu.memref_squeeze %dma_wait3A_229 : memref<1x64xi32, #tpu.memory_space<vmem>> -> memref<64xi32, #tpu.memory_space<vmem>>
      %dma_wait3A_231 = arith.constant 0 : i32
      %dma_wait3A_232 = arith.constant 0 : i32
      %dma_wait3A_233 = tpu.memref_slice %arg2[%dma_wait3A_231, %dma_wait3A_232] : memref<20000x128xf32, #tpu.memory_space<hbm>> -> memref<20000x128xf32, #tpu.memory_space<hbm>>
      tpu.wait_indirect_dma semaphore(%arg12 : memref<!tpu.dma_semaphore, #tpu.memory_space<semaphore_mem>>) src(%dma_wait3A_233 : memref<20000x128xf32, #tpu.memory_space<hbm>>) dst(%dma_wait3A_227 : memref<64x128xf32, #tpu.memory_space<vmem>>)
      %dma_start3A_234 = arith.constant 3 : i32
      %dma_start3A_235 = arith.constant 7 : i32
      %dma_start3A_236 = arith.constant 0 : i32
      %dma_start3A_237 = arith.constant 0 : i32
      %dma_start3A_238 = tpu.memref_slice %arg7[%dma_start3A_234, %dma_start3A_236, %dma_start3A_237] : memref<5x64x128xf32, #tpu.memory_space<vmem>> -> memref<1x64x128xf32, #tpu.memory_space<vmem>>
      %dma_start3A_239 = tpu.memref_squeeze %dma_start3A_238 : memref<1x64x128xf32, #tpu.memory_space<vmem>> -> memref<64x128xf32, #tpu.memory_space<vmem>>
      %dma_start3A_240 = arith.constant 0 : i32
      %dma_start3A_241 = tpu.memref_slice %arg8[%dma_start3A_235, %dma_start3A_240] : memref<20x64xi32, #tpu.memory_space<vmem>> -> memref<1x64xi32, #tpu.memory_space<vmem>>
      %dma_start3A_242 = tpu.memref_squeeze %dma_start3A_241 : memref<1x64xi32, #tpu.memory_space<vmem>> -> memref<64xi32, #tpu.memory_space<vmem>>
      %dma_start3A_243 = arith.constant 0 : i32
      %dma_start3A_244 = arith.constant 0 : i32
      %dma_start3A_245 = tpu.memref_slice %arg6[%dma_start3A_243, %dma_start3A_244] : memref<10240x128xf32, #tpu.memory_space<vmem_shared>> -> memref<10240x128xf32, #tpu.memory_space<vmem_shared>>
      tpu.enqueue_indirect_dma source(%dma_start3A_239 : memref<64x128xf32, #tpu.memory_space<vmem>>) target(%dma_start3A_245 : memref<10240x128xf32, #tpu.memory_space<vmem_shared>>) offsets(%dma_start3A_242 : memref<64xi32, #tpu.memory_space<vmem>>) semaphore(%arg17 : memref<!tpu.dma_semaphore, #tpu.memory_space<semaphore_mem>>) {add = true}
      %dma_wait3A_246 = arith.constant 3 : i32
      %dma_wait3A_247 = arith.constant 7 : i32
      %dma_wait3A_248 = arith.constant 0 : i32
      %dma_wait3A_249 = arith.constant 0 : i32
      %dma_wait3A_250 = tpu.memref_slice %arg7[%dma_wait3A_246, %dma_wait3A_248, %dma_wait3A_249] : memref<5x64x128xf32, #tpu.memory_space<vmem>> -> memref<1x64x128xf32, #tpu.memory_space<vmem>>
      %dma_wait3A_251 = tpu.memref_squeeze %dma_wait3A_250 : memref<1x64x128xf32, #tpu.memory_space<vmem>> -> memref<64x128xf32, #tpu.memory_space<vmem>>
      %dma_wait3A_252 = arith.constant 0 : i32
      %dma_wait3A_253 = tpu.memref_slice %arg8[%dma_wait3A_247, %dma_wait3A_252] : memref<20x64xi32, #tpu.memory_space<vmem>> -> memref<1x64xi32, #tpu.memory_space<vmem>>
      %dma_wait3A_254 = tpu.memref_squeeze %dma_wait3A_253 : memref<1x64xi32, #tpu.memory_space<vmem>> -> memref<64xi32, #tpu.memory_space<vmem>>
      %dma_wait3A_255 = arith.constant 0 : i32
      %dma_wait3A_256 = arith.constant 0 : i32
      %dma_wait3A_257 = tpu.memref_slice %arg6[%dma_wait3A_255, %dma_wait3A_256] : memref<10240x128xf32, #tpu.memory_space<vmem_shared>> -> memref<10240x128xf32, #tpu.memory_space<vmem_shared>>
      tpu.wait_indirect_dma semaphore(%arg17 : memref<!tpu.dma_semaphore, #tpu.memory_space<semaphore_mem>>) src(%dma_wait3A_251 : memref<64x128xf32, #tpu.memory_space<vmem>>) dst(%dma_wait3A_257 : memref<10240x128xf32, #tpu.memory_space<vmem_shared>>)
      %dma_start3A_258 = arith.constant 16 : i32
      %dma_start3A_259 = arith.constant 3 : i32
      %dma_start3A_260 = arith.constant 0 : i32
      %dma_start3A_261 = arith.constant 0 : i32
      %dma_start3A_262 = tpu.memref_slice %arg7[%dma_start3A_259, %dma_start3A_260, %dma_start3A_261] : memref<5x64x128xf32, #tpu.memory_space<vmem>> -> memref<1x64x128xf32, #tpu.memory_space<vmem>>
      %dma_start3A_263 = tpu.memref_squeeze %dma_start3A_262 : memref<1x64x128xf32, #tpu.memory_space<vmem>> -> memref<64x128xf32, #tpu.memory_space<vmem>>
      %dma_start3A_264 = arith.constant 0 : i32
      %dma_start3A_265 = tpu.memref_slice %arg8[%dma_start3A_258, %dma_start3A_264] : memref<20x64xi32, #tpu.memory_space<vmem>> -> memref<1x64xi32, #tpu.memory_space<vmem>>
      %dma_start3A_266 = tpu.memref_squeeze %dma_start3A_265 : memref<1x64xi32, #tpu.memory_space<vmem>> -> memref<64xi32, #tpu.memory_space<vmem>>
      %dma_start3A_267 = arith.constant 0 : i32
      %dma_start3A_268 = arith.constant 0 : i32
      %dma_start3A_269 = tpu.memref_slice %arg2[%dma_start3A_267, %dma_start3A_268] : memref<20000x128xf32, #tpu.memory_space<hbm>> -> memref<20000x128xf32, #tpu.memory_space<hbm>>
      tpu.enqueue_indirect_dma source(%dma_start3A_269 : memref<20000x128xf32, #tpu.memory_space<hbm>>) target(%dma_start3A_263 : memref<64x128xf32, #tpu.memory_space<vmem>>) offsets(%dma_start3A_266 : memref<64xi32, #tpu.memory_space<vmem>>) semaphore(%arg12 : memref<!tpu.dma_semaphore, #tpu.memory_space<semaphore_mem>>)
      %dma_wait3A_270 = arith.constant 8 : i32
      %dma_wait3A_271 = arith.constant 4 : i32
      %dma_wait3A_272 = arith.constant 0 : i32
      %dma_wait3A_273 = arith.constant 0 : i32
      %dma_wait3A_274 = tpu.memref_slice %arg7[%dma_wait3A_271, %dma_wait3A_272, %dma_wait3A_273] : memref<5x64x128xf32, #tpu.memory_space<vmem>> -> memref<1x64x128xf32, #tpu.memory_space<vmem>>
      %dma_wait3A_275 = tpu.memref_squeeze %dma_wait3A_274 : memref<1x64x128xf32, #tpu.memory_space<vmem>> -> memref<64x128xf32, #tpu.memory_space<vmem>>
      %dma_wait3A_276 = arith.constant 0 : i32
      %dma_wait3A_277 = tpu.memref_slice %arg8[%dma_wait3A_270, %dma_wait3A_276] : memref<20x64xi32, #tpu.memory_space<vmem>> -> memref<1x64xi32, #tpu.memory_space<vmem>>
      %dma_wait3A_278 = tpu.memref_squeeze %dma_wait3A_277 : memref<1x64xi32, #tpu.memory_space<vmem>> -> memref<64xi32, #tpu.memory_space<vmem>>
      %dma_wait3A_279 = arith.constant 0 : i32
      %dma_wait3A_280 = arith.constant 0 : i32
      %dma_wait3A_281 = tpu.memref_slice %arg2[%dma_wait3A_279, %dma_wait3A_280] : memref<20000x128xf32, #tpu.memory_space<hbm>> -> memref<20000x128xf32, #tpu.memory_space<hbm>>
      tpu.wait_indirect_dma semaphore(%arg13 : memref<!tpu.dma_semaphore, #tpu.memory_space<semaphore_mem>>) src(%dma_wait3A_281 : memref<20000x128xf32, #tpu.memory_space<hbm>>) dst(%dma_wait3A_275 : memref<64x128xf32, #tpu.memory_space<vmem>>)
      %dma_start3A_282 = arith.constant 4 : i32
      %dma_start3A_283 = arith.constant 9 : i32
      %dma_start3A_284 = arith.constant 0 : i32
      %dma_start3A_285 = arith.constant 0 : i32
      %dma_start3A_286 = tpu.memref_slice %arg7[%dma_start3A_282, %dma_start3A_284, %dma_start3A_285] : memref<5x64x128xf32, #tpu.memory_space<vmem>> -> memref<1x64x128xf32, #tpu.memory_space<vmem>>
      %dma_start3A_287 = tpu.memref_squeeze %dma_start3A_286 : memref<1x64x128xf32, #tpu.memory_space<vmem>> -> memref<64x128xf32, #tpu.memory_space<vmem>>
      %dma_start3A_288 = arith.constant 0 : i32
      %dma_start3A_289 = tpu.memref_slice %arg8[%dma_start3A_283, %dma_start3A_288] : memref<20x64xi32, #tpu.memory_space<vmem>> -> memref<1x64xi32, #tpu.memory_space<vmem>>
      %dma_start3A_290 = tpu.memref_squeeze %dma_start3A_289 : memref<1x64xi32, #tpu.memory_space<vmem>> -> memref<64xi32, #tpu.memory_space<vmem>>
      %dma_start3A_291 = arith.constant 0 : i32
      %dma_start3A_292 = arith.constant 0 : i32
      %dma_start3A_293 = tpu.memref_slice %arg6[%dma_start3A_291, %dma_start3A_292] : memref<10240x128xf32, #tpu.memory_space<vmem_shared>> -> memref<10240x128xf32, #tpu.memory_space<vmem_shared>>
      tpu.enqueue_indirect_dma source(%dma_start3A_287 : memref<64x128xf32, #tpu.memory_space<vmem>>) target(%dma_start3A_293 : memref<10240x128xf32, #tpu.memory_space<vmem_shared>>) offsets(%dma_start3A_290 : memref<64xi32, #tpu.memory_space<vmem>>) semaphore(%arg18 : memref<!tpu.dma_semaphore, #tpu.memory_space<semaphore_mem>>) {add = true}
      %dma_wait3A_294 = arith.constant 4 : i32
      %dma_wait3A_295 = arith.constant 9 : i32
      %dma_wait3A_296 = arith.constant 0 : i32
      %dma_wait3A_297 = arith.constant 0 : i32
      %dma_wait3A_298 = tpu.memref_slice %arg7[%dma_wait3A_294, %dma_wait3A_296, %dma_wait3A_297] : memref<5x64x128xf32, #tpu.memory_space<vmem>> -> memref<1x64x128xf32, #tpu.memory_space<vmem>>
      %dma_wait3A_299 = tpu.memref_squeeze %dma_wait3A_298 : memref<1x64x128xf32, #tpu.memory_space<vmem>> -> memref<64x128xf32, #tpu.memory_space<vmem>>
      %dma_wait3A_300 = arith.constant 0 : i32
      %dma_wait3A_301 = tpu.memref_slice %arg8[%dma_wait3A_295, %dma_wait3A_300] : memref<20x64xi32, #tpu.memory_space<vmem>> -> memref<1x64xi32, #tpu.memory_space<vmem>>
      %dma_wait3A_302 = tpu.memref_squeeze %dma_wait3A_301 : memref<1x64xi32, #tpu.memory_space<vmem>> -> memref<64xi32, #tpu.memory_space<vmem>>
      %dma_wait3A_303 = arith.constant 0 : i32
      %dma_wait3A_304 = arith.constant 0 : i32
      %dma_wait3A_305 = tpu.memref_slice %arg6[%dma_wait3A_303, %dma_wait3A_304] : memref<10240x128xf32, #tpu.memory_space<vmem_shared>> -> memref<10240x128xf32, #tpu.memory_space<vmem_shared>>
      tpu.wait_indirect_dma semaphore(%arg18 : memref<!tpu.dma_semaphore, #tpu.memory_space<semaphore_mem>>) src(%dma_wait3A_299 : memref<64x128xf32, #tpu.memory_space<vmem>>) dst(%dma_wait3A_305 : memref<10240x128xf32, #tpu.memory_space<vmem_shared>>)
      %dma_start3A_306 = arith.constant 18 : i32
      %dma_start3A_307 = arith.constant 4 : i32
      %dma_start3A_308 = arith.constant 0 : i32
      %dma_start3A_309 = arith.constant 0 : i32
      %dma_start3A_310 = tpu.memref_slice %arg7[%dma_start3A_307, %dma_start3A_308, %dma_start3A_309] : memref<5x64x128xf32, #tpu.memory_space<vmem>> -> memref<1x64x128xf32, #tpu.memory_space<vmem>>
      %dma_start3A_311 = tpu.memref_squeeze %dma_start3A_310 : memref<1x64x128xf32, #tpu.memory_space<vmem>> -> memref<64x128xf32, #tpu.memory_space<vmem>>
      %dma_start3A_312 = arith.constant 0 : i32
      %dma_start3A_313 = tpu.memref_slice %arg8[%dma_start3A_306, %dma_start3A_312] : memref<20x64xi32, #tpu.memory_space<vmem>> -> memref<1x64xi32, #tpu.memory_space<vmem>>
      %dma_start3A_314 = tpu.memref_squeeze %dma_start3A_313 : memref<1x64xi32, #tpu.memory_space<vmem>> -> memref<64xi32, #tpu.memory_space<vmem>>
      %dma_start3A_315 = arith.constant 0 : i32
      %dma_start3A_316 = arith.constant 0 : i32
      %dma_start3A_317 = tpu.memref_slice %arg2[%dma_start3A_315, %dma_start3A_316] : memref<20000x128xf32, #tpu.memory_space<hbm>> -> memref<20000x128xf32, #tpu.memory_space<hbm>>
      tpu.enqueue_indirect_dma source(%dma_start3A_317 : memref<20000x128xf32, #tpu.memory_space<hbm>>) target(%dma_start3A_311 : memref<64x128xf32, #tpu.memory_space<vmem>>) offsets(%dma_start3A_314 : memref<64xi32, #tpu.memory_space<vmem>>) semaphore(%arg13 : memref<!tpu.dma_semaphore, #tpu.memory_space<semaphore_mem>>)
      %dma_wait3A_318 = arith.constant 10 : i32
      %dma_wait3A_319 = arith.constant 0 : i32
      %dma_wait3A_320 = arith.constant 0 : i32
      %dma_wait3A_321 = arith.constant 0 : i32
      %dma_wait3A_322 = tpu.memref_slice %arg7[%dma_wait3A_319, %dma_wait3A_320, %dma_wait3A_321] : memref<5x64x128xf32, #tpu.memory_space<vmem>> -> memref<1x64x128xf32, #tpu.memory_space<vmem>>
      %dma_wait3A_323 = tpu.memref_squeeze %dma_wait3A_322 : memref<1x64x128xf32, #tpu.memory_space<vmem>> -> memref<64x128xf32, #tpu.memory_space<vmem>>
      %dma_wait3A_324 = arith.constant 0 : i32
      %dma_wait3A_325 = tpu.memref_slice %arg8[%dma_wait3A_318, %dma_wait3A_324] : memref<20x64xi32, #tpu.memory_space<vmem>> -> memref<1x64xi32, #tpu.memory_space<vmem>>
      %dma_wait3A_326 = tpu.memref_squeeze %dma_wait3A_325 : memref<1x64xi32, #tpu.memory_space<vmem>> -> memref<64xi32, #tpu.memory_space<vmem>>
      %dma_wait3A_327 = arith.constant 0 : i32
      %dma_wait3A_328 = arith.constant 0 : i32
      %dma_wait3A_329 = tpu.memref_slice %arg2[%dma_wait3A_327, %dma_wait3A_328] : memref<20000x128xf32, #tpu.memory_space<hbm>> -> memref<20000x128xf32, #tpu.memory_space<hbm>>
      tpu.wait_indirect_dma semaphore(%arg9 : memref<!tpu.dma_semaphore, #tpu.memory_space<semaphore_mem>>) src(%dma_wait3A_329 : memref<20000x128xf32, #tpu.memory_space<hbm>>) dst(%dma_wait3A_323 : memref<64x128xf32, #tpu.memory_space<vmem>>)
      %dma_start3A_330 = arith.constant 0 : i32
      %dma_start3A_331 = arith.constant 11 : i32
      %dma_start3A_332 = arith.constant 0 : i32
      %dma_start3A_333 = arith.constant 0 : i32
      %dma_start3A_334 = tpu.memref_slice %arg7[%dma_start3A_330, %dma_start3A_332, %dma_start3A_333] : memref<5x64x128xf32, #tpu.memory_space<vmem>> -> memref<1x64x128xf32, #tpu.memory_space<vmem>>
      %dma_start3A_335 = tpu.memref_squeeze %dma_start3A_334 : memref<1x64x128xf32, #tpu.memory_space<vmem>> -> memref<64x128xf32, #tpu.memory_space<vmem>>
      %dma_start3A_336 = arith.constant 0 : i32
      %dma_start3A_337 = tpu.memref_slice %arg8[%dma_start3A_331, %dma_start3A_336] : memref<20x64xi32, #tpu.memory_space<vmem>> -> memref<1x64xi32, #tpu.memory_space<vmem>>
      %dma_start3A_338 = tpu.memref_squeeze %dma_start3A_337 : memref<1x64xi32, #tpu.memory_space<vmem>> -> memref<64xi32, #tpu.memory_space<vmem>>
      %dma_start3A_339 = arith.constant 0 : i32
      %dma_start3A_340 = arith.constant 0 : i32
      %dma_start3A_341 = tpu.memref_slice %arg6[%dma_start3A_339, %dma_start3A_340] : memref<10240x128xf32, #tpu.memory_space<vmem_shared>> -> memref<10240x128xf32, #tpu.memory_space<vmem_shared>>
      tpu.enqueue_indirect_dma source(%dma_start3A_335 : memref<64x128xf32, #tpu.memory_space<vmem>>) target(%dma_start3A_341 : memref<10240x128xf32, #tpu.memory_space<vmem_shared>>) offsets(%dma_start3A_338 : memref<64xi32, #tpu.memory_space<vmem>>) semaphore(%arg14 : memref<!tpu.dma_semaphore, #tpu.memory_space<semaphore_mem>>) {add = true}
      %dma_wait3A_342 = arith.constant 0 : i32
      %dma_wait3A_343 = arith.constant 11 : i32
      %dma_wait3A_344 = arith.constant 0 : i32
      %dma_wait3A_345 = arith.constant 0 : i32
      %dma_wait3A_346 = tpu.memref_slice %arg7[%dma_wait3A_342, %dma_wait3A_344, %dma_wait3A_345] : memref<5x64x128xf32, #tpu.memory_space<vmem>> -> memref<1x64x128xf32, #tpu.memory_space<vmem>>
      %dma_wait3A_347 = tpu.memref_squeeze %dma_wait3A_346 : memref<1x64x128xf32, #tpu.memory_space<vmem>> -> memref<64x128xf32, #tpu.memory_space<vmem>>
      %dma_wait3A_348 = arith.constant 0 : i32
      %dma_wait3A_349 = tpu.memref_slice %arg8[%dma_wait3A_343, %dma_wait3A_348] : memref<20x64xi32, #tpu.memory_space<vmem>> -> memref<1x64xi32, #tpu.memory_space<vmem>>
      %dma_wait3A_350 = tpu.memref_squeeze %dma_wait3A_349 : memref<1x64xi32, #tpu.memory_space<vmem>> -> memref<64xi32, #tpu.memory_space<vmem>>
      %dma_wait3A_351 = arith.constant 0 : i32
      %dma_wait3A_352 = arith.constant 0 : i32
      %dma_wait3A_353 = tpu.memref_slice %arg6[%dma_wait3A_351, %dma_wait3A_352] : memref<10240x128xf32, #tpu.memory_space<vmem_shared>> -> memref<10240x128xf32, #tpu.memory_space<vmem_shared>>
      tpu.wait_indirect_dma semaphore(%arg14 : memref<!tpu.dma_semaphore, #tpu.memory_space<semaphore_mem>>) src(%dma_wait3A_347 : memref<64x128xf32, #tpu.memory_space<vmem>>) dst(%dma_wait3A_353 : memref<10240x128xf32, #tpu.memory_space<vmem_shared>>)
      %dma_wait3A_354 = arith.constant 12 : i32
      %dma_wait3A_355 = arith.constant 1 : i32
      %dma_wait3A_356 = arith.constant 0 : i32
      %dma_wait3A_357 = arith.constant 0 : i32
      %dma_wait3A_358 = tpu.memref_slice %arg7[%dma_wait3A_355, %dma_wait3A_356, %dma_wait3A_357] : memref<5x64x128xf32, #tpu.memory_space<vmem>> -> memref<1x64x128xf32, #tpu.memory_space<vmem>>
      %dma_wait3A_359 = tpu.memref_squeeze %dma_wait3A_358 : memref<1x64x128xf32, #tpu.memory_space<vmem>> -> memref<64x128xf32, #tpu.memory_space<vmem>>
      %dma_wait3A_360 = arith.constant 0 : i32
      %dma_wait3A_361 = tpu.memref_slice %arg8[%dma_wait3A_354, %dma_wait3A_360] : memref<20x64xi32, #tpu.memory_space<vmem>> -> memref<1x64xi32, #tpu.memory_space<vmem>>
      %dma_wait3A_362 = tpu.memref_squeeze %dma_wait3A_361 : memref<1x64xi32, #tpu.memory_space<vmem>> -> memref<64xi32, #tpu.memory_space<vmem>>
      %dma_wait3A_363 = arith.constant 0 : i32
      %dma_wait3A_364 = arith.constant 0 : i32
      %dma_wait3A_365 = tpu.memref_slice %arg2[%dma_wait3A_363, %dma_wait3A_364] : memref<20000x128xf32, #tpu.memory_space<hbm>> -> memref<20000x128xf32, #tpu.memory_space<hbm>>
      tpu.wait_indirect_dma semaphore(%arg10 : memref<!tpu.dma_semaphore, #tpu.memory_space<semaphore_mem>>) src(%dma_wait3A_365 : memref<20000x128xf32, #tpu.memory_space<hbm>>) dst(%dma_wait3A_359 : memref<64x128xf32, #tpu.memory_space<vmem>>)
      %dma_start3A_366 = arith.constant 1 : i32
      %dma_start3A_367 = arith.constant 13 : i32
      %dma_start3A_368 = arith.constant 0 : i32
      %dma_start3A_369 = arith.constant 0 : i32
      %dma_start3A_370 = tpu.memref_slice %arg7[%dma_start3A_366, %dma_start3A_368, %dma_start3A_369] : memref<5x64x128xf32, #tpu.memory_space<vmem>> -> memref<1x64x128xf32, #tpu.memory_space<vmem>>
      %dma_start3A_371 = tpu.memref_squeeze %dma_start3A_370 : memref<1x64x128xf32, #tpu.memory_space<vmem>> -> memref<64x128xf32, #tpu.memory_space<vmem>>
      %dma_start3A_372 = arith.constant 0 : i32
      %dma_start3A_373 = tpu.memref_slice %arg8[%dma_start3A_367, %dma_start3A_372] : memref<20x64xi32, #tpu.memory_space<vmem>> -> memref<1x64xi32, #tpu.memory_space<vmem>>
      %dma_start3A_374 = tpu.memref_squeeze %dma_start3A_373 : memref<1x64xi32, #tpu.memory_space<vmem>> -> memref<64xi32, #tpu.memory_space<vmem>>
      %dma_start3A_375 = arith.constant 0 : i32
      %dma_start3A_376 = arith.constant 0 : i32
      %dma_start3A_377 = tpu.memref_slice %arg6[%dma_start3A_375, %dma_start3A_376] : memref<10240x128xf32, #tpu.memory_space<vmem_shared>> -> memref<10240x128xf32, #tpu.memory_space<vmem_shared>>
      tpu.enqueue_indirect_dma source(%dma_start3A_371 : memref<64x128xf32, #tpu.memory_space<vmem>>) target(%dma_start3A_377 : memref<10240x128xf32, #tpu.memory_space<vmem_shared>>) offsets(%dma_start3A_374 : memref<64xi32, #tpu.memory_space<vmem>>) semaphore(%arg15 : memref<!tpu.dma_semaphore, #tpu.memory_space<semaphore_mem>>) {add = true}
      %dma_wait3A_378 = arith.constant 1 : i32
      %dma_wait3A_379 = arith.constant 13 : i32
      %dma_wait3A_380 = arith.constant 0 : i32
      %dma_wait3A_381 = arith.constant 0 : i32
      %dma_wait3A_382 = tpu.memref_slice %arg7[%dma_wait3A_378, %dma_wait3A_380, %dma_wait3A_381] : memref<5x64x128xf32, #tpu.memory_space<vmem>> -> memref<1x64x128xf32, #tpu.memory_space<vmem>>
      %dma_wait3A_383 = tpu.memref_squeeze %dma_wait3A_382 : memref<1x64x128xf32, #tpu.memory_space<vmem>> -> memref<64x128xf32, #tpu.memory_space<vmem>>
      %dma_wait3A_384 = arith.constant 0 : i32
      %dma_wait3A_385 = tpu.memref_slice %arg8[%dma_wait3A_379, %dma_wait3A_384] : memref<20x64xi32, #tpu.memory_space<vmem>> -> memref<1x64xi32, #tpu.memory_space<vmem>>
      %dma_wait3A_386 = tpu.memref_squeeze %dma_wait3A_385 : memref<1x64xi32, #tpu.memory_space<vmem>> -> memref<64xi32, #tpu.memory_space<vmem>>
      %dma_wait3A_387 = arith.constant 0 : i32
      %dma_wait3A_388 = arith.constant 0 : i32
      %dma_wait3A_389 = tpu.memref_slice %arg6[%dma_wait3A_387, %dma_wait3A_388] : memref<10240x128xf32, #tpu.memory_space<vmem_shared>> -> memref<10240x128xf32, #tpu.memory_space<vmem_shared>>
      tpu.wait_indirect_dma semaphore(%arg15 : memref<!tpu.dma_semaphore, #tpu.memory_space<semaphore_mem>>) src(%dma_wait3A_383 : memref<64x128xf32, #tpu.memory_space<vmem>>) dst(%dma_wait3A_389 : memref<10240x128xf32, #tpu.memory_space<vmem_shared>>)
      %dma_wait3A_390 = arith.constant 14 : i32
      %dma_wait3A_391 = arith.constant 2 : i32
      %dma_wait3A_392 = arith.constant 0 : i32
      %dma_wait3A_393 = arith.constant 0 : i32
      %dma_wait3A_394 = tpu.memref_slice %arg7[%dma_wait3A_391, %dma_wait3A_392, %dma_wait3A_393] : memref<5x64x128xf32, #tpu.memory_space<vmem>> -> memref<1x64x128xf32, #tpu.memory_space<vmem>>
      %dma_wait3A_395 = tpu.memref_squeeze %dma_wait3A_394 : memref<1x64x128xf32, #tpu.memory_space<vmem>> -> memref<64x128xf32, #tpu.memory_space<vmem>>
      %dma_wait3A_396 = arith.constant 0 : i32
      %dma_wait3A_397 = tpu.memref_slice %arg8[%dma_wait3A_390, %dma_wait3A_396] : memref<20x64xi32, #tpu.memory_space<vmem>> -> memref<1x64xi32, #tpu.memory_space<vmem>>
      %dma_wait3A_398 = tpu.memref_squeeze %dma_wait3A_397 : memref<1x64xi32, #tpu.memory_space<vmem>> -> memref<64xi32, #tpu.memory_space<vmem>>
      %dma_wait3A_399 = arith.constant 0 : i32
      %dma_wait3A_400 = arith.constant 0 : i32
      %dma_wait3A_401 = tpu.memref_slice %arg2[%dma_wait3A_399, %dma_wait3A_400] : memref<20000x128xf32, #tpu.memory_space<hbm>> -> memref<20000x128xf32, #tpu.memory_space<hbm>>
      tpu.wait_indirect_dma semaphore(%arg11 : memref<!tpu.dma_semaphore, #tpu.memory_space<semaphore_mem>>) src(%dma_wait3A_401 : memref<20000x128xf32, #tpu.memory_space<hbm>>) dst(%dma_wait3A_395 : memref<64x128xf32, #tpu.memory_space<vmem>>)
      %dma_start3A_402 = arith.constant 2 : i32
      %dma_start3A_403 = arith.constant 15 : i32
      %dma_start3A_404 = arith.constant 0 : i32
      %dma_start3A_405 = arith.constant 0 : i32
      %dma_start3A_406 = tpu.memref_slice %arg7[%dma_start3A_402, %dma_start3A_404, %dma_start3A_405] : memref<5x64x128xf32, #tpu.memory_space<vmem>> -> memref<1x64x128xf32, #tpu.memory_space<vmem>>
      %dma_start3A_407 = tpu.memref_squeeze %dma_start3A_406 : memref<1x64x128xf32, #tpu.memory_space<vmem>> -> memref<64x128xf32, #tpu.memory_space<vmem>>
      %dma_start3A_408 = arith.constant 0 : i32
      %dma_start3A_409 = tpu.memref_slice %arg8[%dma_start3A_403, %dma_start3A_408] : memref<20x64xi32, #tpu.memory_space<vmem>> -> memref<1x64xi32, #tpu.memory_space<vmem>>
      %dma_start3A_410 = tpu.memref_squeeze %dma_start3A_409 : memref<1x64xi32, #tpu.memory_space<vmem>> -> memref<64xi32, #tpu.memory_space<vmem>>
      %dma_start3A_411 = arith.constant 0 : i32
      %dma_start3A_412 = arith.constant 0 : i32
      %dma_start3A_413 = tpu.memref_slice %arg6[%dma_start3A_411, %dma_start3A_412] : memref<10240x128xf32, #tpu.memory_space<vmem_shared>> -> memref<10240x128xf32, #tpu.memory_space<vmem_shared>>
      tpu.enqueue_indirect_dma source(%dma_start3A_407 : memref<64x128xf32, #tpu.memory_space<vmem>>) target(%dma_start3A_413 : memref<10240x128xf32, #tpu.memory_space<vmem_shared>>) offsets(%dma_start3A_410 : memref<64xi32, #tpu.memory_space<vmem>>) semaphore(%arg16 : memref<!tpu.dma_semaphore, #tpu.memory_space<semaphore_mem>>) {add = true}
      %dma_wait3A_414 = arith.constant 2 : i32
      %dma_wait3A_415 = arith.constant 15 : i32
      %dma_wait3A_416 = arith.constant 0 : i32
      %dma_wait3A_417 = arith.constant 0 : i32
      %dma_wait3A_418 = tpu.memref_slice %arg7[%dma_wait3A_414, %dma_wait3A_416, %dma_wait3A_417] : memref<5x64x128xf32, #tpu.memory_space<vmem>> -> memref<1x64x128xf32, #tpu.memory_space<vmem>>
      %dma_wait3A_419 = tpu.memref_squeeze %dma_wait3A_418 : memref<1x64x128xf32, #tpu.memory_space<vmem>> -> memref<64x128xf32, #tpu.memory_space<vmem>>
      %dma_wait3A_420 = arith.constant 0 : i32
      %dma_wait3A_421 = tpu.memref_slice %arg8[%dma_wait3A_415, %dma_wait3A_420] : memref<20x64xi32, #tpu.memory_space<vmem>> -> memref<1x64xi32, #tpu.memory_space<vmem>>
      %dma_wait3A_422 = tpu.memref_squeeze %dma_wait3A_421 : memref<1x64xi32, #tpu.memory_space<vmem>> -> memref<64xi32, #tpu.memory_space<vmem>>
      %dma_wait3A_423 = arith.constant 0 : i32
      %dma_wait3A_424 = arith.constant 0 : i32
      %dma_wait3A_425 = tpu.memref_slice %arg6[%dma_wait3A_423, %dma_wait3A_424] : memref<10240x128xf32, #tpu.memory_space<vmem_shared>> -> memref<10240x128xf32, #tpu.memory_space<vmem_shared>>
      tpu.wait_indirect_dma semaphore(%arg16 : memref<!tpu.dma_semaphore, #tpu.memory_space<semaphore_mem>>) src(%dma_wait3A_419 : memref<64x128xf32, #tpu.memory_space<vmem>>) dst(%dma_wait3A_425 : memref<10240x128xf32, #tpu.memory_space<vmem_shared>>)
      %dma_wait3A_426 = arith.constant 16 : i32
      %dma_wait3A_427 = arith.constant 3 : i32
      %dma_wait3A_428 = arith.constant 0 : i32
      %dma_wait3A_429 = arith.constant 0 : i32
      %dma_wait3A_430 = tpu.memref_slice %arg7[%dma_wait3A_427, %dma_wait3A_428, %dma_wait3A_429] : memref<5x64x128xf32, #tpu.memory_space<vmem>> -> memref<1x64x128xf32, #tpu.memory_space<vmem>>
      %dma_wait3A_431 = tpu.memref_squeeze %dma_wait3A_430 : memref<1x64x128xf32, #tpu.memory_space<vmem>> -> memref<64x128xf32, #tpu.memory_space<vmem>>
      %dma_wait3A_432 = arith.constant 0 : i32
      %dma_wait3A_433 = tpu.memref_slice %arg8[%dma_wait3A_426, %dma_wait3A_432] : memref<20x64xi32, #tpu.memory_space<vmem>> -> memref<1x64xi32, #tpu.memory_space<vmem>>
      %dma_wait3A_434 = tpu.memref_squeeze %dma_wait3A_433 : memref<1x64xi32, #tpu.memory_space<vmem>> -> memref<64xi32, #tpu.memory_space<vmem>>
      %dma_wait3A_435 = arith.constant 0 : i32
      %dma_wait3A_436 = arith.constant 0 : i32
      %dma_wait3A_437 = tpu.memref_slice %arg2[%dma_wait3A_435, %dma_wait3A_436] : memref<20000x128xf32, #tpu.memory_space<hbm>> -> memref<20000x128xf32, #tpu.memory_space<hbm>>
      tpu.wait_indirect_dma semaphore(%arg12 : memref<!tpu.dma_semaphore, #tpu.memory_space<semaphore_mem>>) src(%dma_wait3A_437 : memref<20000x128xf32, #tpu.memory_space<hbm>>) dst(%dma_wait3A_431 : memref<64x128xf32, #tpu.memory_space<vmem>>)
      %dma_start3A_438 = arith.constant 3 : i32
      %dma_start3A_439 = arith.constant 17 : i32
      %dma_start3A_440 = arith.constant 0 : i32
      %dma_start3A_441 = arith.constant 0 : i32
      %dma_start3A_442 = tpu.memref_slice %arg7[%dma_start3A_438, %dma_start3A_440, %dma_start3A_441] : memref<5x64x128xf32, #tpu.memory_space<vmem>> -> memref<1x64x128xf32, #tpu.memory_space<vmem>>
      %dma_start3A_443 = tpu.memref_squeeze %dma_start3A_442 : memref<1x64x128xf32, #tpu.memory_space<vmem>> -> memref<64x128xf32, #tpu.memory_space<vmem>>
      %dma_start3A_444 = arith.constant 0 : i32
      %dma_start3A_445 = tpu.memref_slice %arg8[%dma_start3A_439, %dma_start3A_444] : memref<20x64xi32, #tpu.memory_space<vmem>> -> memref<1x64xi32, #tpu.memory_space<vmem>>
      %dma_start3A_446 = tpu.memref_squeeze %dma_start3A_445 : memref<1x64xi32, #tpu.memory_space<vmem>> -> memref<64xi32, #tpu.memory_space<vmem>>
      %dma_start3A_447 = arith.constant 0 : i32
      %dma_start3A_448 = arith.constant 0 : i32
      %dma_start3A_449 = tpu.memref_slice %arg6[%dma_start3A_447, %dma_start3A_448] : memref<10240x128xf32, #tpu.memory_space<vmem_shared>> -> memref<10240x128xf32, #tpu.memory_space<vmem_shared>>
      tpu.enqueue_indirect_dma source(%dma_start3A_443 : memref<64x128xf32, #tpu.memory_space<vmem>>) target(%dma_start3A_449 : memref<10240x128xf32, #tpu.memory_space<vmem_shared>>) offsets(%dma_start3A_446 : memref<64xi32, #tpu.memory_space<vmem>>) semaphore(%arg17 : memref<!tpu.dma_semaphore, #tpu.memory_space<semaphore_mem>>) {add = true}
      %dma_wait3A_450 = arith.constant 3 : i32
      %dma_wait3A_451 = arith.constant 17 : i32
      %dma_wait3A_452 = arith.constant 0 : i32
      %dma_wait3A_453 = arith.constant 0 : i32
      %dma_wait3A_454 = tpu.memref_slice %arg7[%dma_wait3A_450, %dma_wait3A_452, %dma_wait3A_453] : memref<5x64x128xf32, #tpu.memory_space<vmem>> -> memref<1x64x128xf32, #tpu.memory_space<vmem>>
      %dma_wait3A_455 = tpu.memref_squeeze %dma_wait3A_454 : memref<1x64x128xf32, #tpu.memory_space<vmem>> -> memref<64x128xf32, #tpu.memory_space<vmem>>
      %dma_wait3A_456 = arith.constant 0 : i32
      %dma_wait3A_457 = tpu.memref_slice %arg8[%dma_wait3A_451, %dma_wait3A_456] : memref<20x64xi32, #tpu.memory_space<vmem>> -> memref<1x64xi32, #tpu.memory_space<vmem>>
      %dma_wait3A_458 = tpu.memref_squeeze %dma_wait3A_457 : memref<1x64xi32, #tpu.memory_space<vmem>> -> memref<64xi32, #tpu.memory_space<vmem>>
      %dma_wait3A_459 = arith.constant 0 : i32
      %dma_wait3A_460 = arith.constant 0 : i32
      %dma_wait3A_461 = tpu.memref_slice %arg6[%dma_wait3A_459, %dma_wait3A_460] : memref<10240x128xf32, #tpu.memory_space<vmem_shared>> -> memref<10240x128xf32, #tpu.memory_space<vmem_shared>>
      tpu.wait_indirect_dma semaphore(%arg17 : memref<!tpu.dma_semaphore, #tpu.memory_space<semaphore_mem>>) src(%dma_wait3A_455 : memref<64x128xf32, #tpu.memory_space<vmem>>) dst(%dma_wait3A_461 : memref<10240x128xf32, #tpu.memory_space<vmem_shared>>)
      %dma_wait3A_462 = arith.constant 18 : i32
      %dma_wait3A_463 = arith.constant 4 : i32
      %dma_wait3A_464 = arith.constant 0 : i32
      %dma_wait3A_465 = arith.constant 0 : i32
      %dma_wait3A_466 = tpu.memref_slice %arg7[%dma_wait3A_463, %dma_wait3A_464, %dma_wait3A_465] : memref<5x64x128xf32, #tpu.memory_space<vmem>> -> memref<1x64x128xf32, #tpu.memory_space<vmem>>
      %dma_wait3A_467 = tpu.memref_squeeze %dma_wait3A_466 : memref<1x64x128xf32, #tpu.memory_space<vmem>> -> memref<64x128xf32, #tpu.memory_space<vmem>>
      %dma_wait3A_468 = arith.constant 0 : i32
      %dma_wait3A_469 = tpu.memref_slice %arg8[%dma_wait3A_462, %dma_wait3A_468] : memref<20x64xi32, #tpu.memory_space<vmem>> -> memref<1x64xi32, #tpu.memory_space<vmem>>
      %dma_wait3A_470 = tpu.memref_squeeze %dma_wait3A_469 : memref<1x64xi32, #tpu.memory_space<vmem>> -> memref<64xi32, #tpu.memory_space<vmem>>
      %dma_wait3A_471 = arith.constant 0 : i32
      %dma_wait3A_472 = arith.constant 0 : i32
      %dma_wait3A_473 = tpu.memref_slice %arg2[%dma_wait3A_471, %dma_wait3A_472] : memref<20000x128xf32, #tpu.memory_space<hbm>> -> memref<20000x128xf32, #tpu.memory_space<hbm>>
      tpu.wait_indirect_dma semaphore(%arg13 : memref<!tpu.dma_semaphore, #tpu.memory_space<semaphore_mem>>) src(%dma_wait3A_473 : memref<20000x128xf32, #tpu.memory_space<hbm>>) dst(%dma_wait3A_467 : memref<64x128xf32, #tpu.memory_space<vmem>>)
      %dma_start3A_474 = arith.constant 4 : i32
      %dma_start3A_475 = arith.constant 19 : i32
      %dma_start3A_476 = arith.constant 0 : i32
      %dma_start3A_477 = arith.constant 0 : i32
      %dma_start3A_478 = tpu.memref_slice %arg7[%dma_start3A_474, %dma_start3A_476, %dma_start3A_477] : memref<5x64x128xf32, #tpu.memory_space<vmem>> -> memref<1x64x128xf32, #tpu.memory_space<vmem>>
      %dma_start3A_479 = tpu.memref_squeeze %dma_start3A_478 : memref<1x64x128xf32, #tpu.memory_space<vmem>> -> memref<64x128xf32, #tpu.memory_space<vmem>>
      %dma_start3A_480 = arith.constant 0 : i32
      %dma_start3A_481 = tpu.memref_slice %arg8[%dma_start3A_475, %dma_start3A_480] : memref<20x64xi32, #tpu.memory_space<vmem>> -> memref<1x64xi32, #tpu.memory_space<vmem>>
      %dma_start3A_482 = tpu.memref_squeeze %dma_start3A_481 : memref<1x64xi32, #tpu.memory_space<vmem>> -> memref<64xi32, #tpu.memory_space<vmem>>
      %dma_start3A_483 = arith.constant 0 : i32
      %dma_start3A_484 = arith.constant 0 : i32
      %dma_start3A_485 = tpu.memref_slice %arg6[%dma_start3A_483, %dma_start3A_484] : memref<10240x128xf32, #tpu.memory_space<vmem_shared>> -> memref<10240x128xf32, #tpu.memory_space<vmem_shared>>
      tpu.enqueue_indirect_dma source(%dma_start3A_479 : memref<64x128xf32, #tpu.memory_space<vmem>>) target(%dma_start3A_485 : memref<10240x128xf32, #tpu.memory_space<vmem_shared>>) offsets(%dma_start3A_482 : memref<64xi32, #tpu.memory_space<vmem>>) semaphore(%arg18 : memref<!tpu.dma_semaphore, #tpu.memory_space<semaphore_mem>>) {add = true}
      %dma_wait3A_486 = arith.constant 4 : i32
      %dma_wait3A_487 = arith.constant 19 : i32
      %dma_wait3A_488 = arith.constant 0 : i32
      %dma_wait3A_489 = arith.constant 0 : i32
      %dma_wait3A_490 = tpu.memref_slice %arg7[%dma_wait3A_486, %dma_wait3A_488, %dma_wait3A_489] : memref<5x64x128xf32, #tpu.memory_space<vmem>> -> memref<1x64x128xf32, #tpu.memory_space<vmem>>
      %dma_wait3A_491 = tpu.memref_squeeze %dma_wait3A_490 : memref<1x64x128xf32, #tpu.memory_space<vmem>> -> memref<64x128xf32, #tpu.memory_space<vmem>>
      %dma_wait3A_492 = arith.constant 0 : i32
      %dma_wait3A_493 = tpu.memref_slice %arg8[%dma_wait3A_487, %dma_wait3A_492] : memref<20x64xi32, #tpu.memory_space<vmem>> -> memref<1x64xi32, #tpu.memory_space<vmem>>
      %dma_wait3A_494 = tpu.memref_squeeze %dma_wait3A_493 : memref<1x64xi32, #tpu.memory_space<vmem>> -> memref<64xi32, #tpu.memory_space<vmem>>
      %dma_wait3A_495 = arith.constant 0 : i32
      %dma_wait3A_496 = arith.constant 0 : i32
      %dma_wait3A_497 = tpu.memref_slice %arg6[%dma_wait3A_495, %dma_wait3A_496] : memref<10240x128xf32, #tpu.memory_space<vmem_shared>> -> memref<10240x128xf32, #tpu.memory_space<vmem_shared>>
      tpu.wait_indirect_dma semaphore(%arg18 : memref<!tpu.dma_semaphore, #tpu.memory_space<semaphore_mem>>) src(%dma_wait3A_491 : memref<64x128xf32, #tpu.memory_space<vmem>>) dst(%dma_wait3A_497 : memref<10240x128xf32, #tpu.memory_space<vmem_shared>>)
    }
    %scan3A_7 = arith.constant 16 : i32
    %barrier3A_8 = arith.constant 0 : index
    tpu.barrier barrier_id(%barrier3A_8)
    %mul3A_9 = arith.constant 640 : i32
    %mul3A_10 = arith.muli %arg1, %mul3A_9 : i32
    %mul3A_11 = arith.constant 10240 : i32
    %mul3A_12 = arith.muli %arg0, %mul3A_11 : i32
    %mul3A_13 = arith.constant 640 : i32
    %mul3A_14 = arith.muli %arg1, %mul3A_13 : i32
    %add3A_15 = arith.addi %mul3A_12, %mul3A_14 : i32
    "tpu.region"() ({
      %run_scoped3A = tpu.sem_alloc : memref<!tpu.dma_semaphore, #tpu.memory_space<semaphore_mem>>
      %dma_start3A = arith.constant 0 : i32
      %dma_start3A_16 = tpu.memref_slice %arg5[%add3A_15, %dma_start3A] : memref<20480x128xf32, #tpu.memory_space<hbm>> -> memref<640x128xf32, #tpu.memory_space<hbm>>
      %dma_start3A_17 = arith.constant 0 : i32
      %dma_start3A_18 = tpu.memref_slice %arg6[%mul3A_10, %dma_start3A_17] : memref<10240x128xf32, #tpu.memory_space<vmem_shared>> -> memref<640x128xf32, #tpu.memory_space<vmem_shared>>
      tpu.enqueue_dma source(%dma_start3A_18 : memref<640x128xf32, #tpu.memory_space<vmem_shared>>) target(%dma_start3A_16 : memref<640x128xf32, #tpu.memory_space<hbm>>) target_semaphore(%run_scoped3A : memref<!tpu.dma_semaphore, #tpu.memory_space<semaphore_mem>>)
      %dma_wait3A = arith.constant 0 : i32
      %dma_wait3A_19 = tpu.memref_slice %arg5[%add3A_15, %dma_wait3A] : memref<20480x128xf32, #tpu.memory_space<hbm>> -> memref<640x128xf32, #tpu.memory_space<hbm>>
      %dma_wait3A_20 = arith.constant 0 : i32
      %dma_wait3A_21 = tpu.memref_slice %arg6[%mul3A_10, %dma_wait3A_20] : memref<10240x128xf32, #tpu.memory_space<vmem_shared>> -> memref<640x128xf32, #tpu.memory_space<vmem_shared>>
      tpu.wait_dma2 semaphore(%run_scoped3A : memref<!tpu.dma_semaphore, #tpu.memory_space<semaphore_mem>>) src(%dma_wait3A_21 : memref<640x128xf32, #tpu.memory_space<vmem_shared>>) dst(%dma_wait3A_19 : memref<640x128xf32, #tpu.memory_space<hbm>>)
      tpu.yield
    }) : () -> ()
    return
  }
}

module attributes {stable_mosaic.version = 14 : i64} {
  func.func @_mm1_body(%arg0: i32, %arg1: memref<2000x256xf32, #tpu.memory_space<vmem>>, %arg2: memref<256x256xf32, #tpu.memory_space<vmem>>, %arg3: memref<1x256xf32, #tpu.memory_space<vmem>>, %arg4: memref<2x2000x128xf32, #tpu.memory_space<vmem>>) attributes {dimension_semantics = [#tpu.dimension_semantics<arbitrary>], iteration_bounds = array<i64: 5>, scalar_prefetch = 0 : i64, scratch_operands = 0 : i64, tpu.core_type = #tpu.core_type<tc>, window_params = [{transform_indices = @transform_0, window_bounds = array<i64: 2000, 256>}, {pipeline_mode = #tpu.pipeline_mode<synchronous>, transform_indices = @transform_1, window_bounds = array<i64: 256, 256>}, {pipeline_mode = #tpu.pipeline_mode<synchronous>, transform_indices = @transform_2, window_bounds = array<i64: 1, 256>}, {transform_indices = @transform_3, window_bounds = array<i64: 2, 2000, 128>}]} {
    %get3A = arith.constant 0 : index
    %get3A_0 = arith.constant 0 : index
    %get3A_1 = vector.load %arg1[%get3A, %get3A_0] : memref<2000x256xf32, #tpu.memory_space<vmem>>, vector<2000x256xf32>
    %get3A_2 = arith.constant 0 : index
    %get3A_3 = arith.constant 0 : index
    %get3A_4 = vector.load %arg2[%get3A_2, %get3A_3] : memref<256x256xf32, #tpu.memory_space<vmem>>, vector<256x256xf32>
    %dot_general3A = arith.constant dense<0.000000e+00> : vector<2000x256xf32>
    %dot_general3A_5 = tpu.matmul %get3A_1, %get3A_4, %dot_general3A {dimension_numbers = #tpu.dot_dimension_numbers<[1], [0], [0], [1], [0, 0, 1, 1], [], []>, transpose_lhs_hint = false} : vector<2000x256xf32>, vector<256x256xf32>, vector<2000x256xf32> -> vector<2000x256xf32>
    %get3A_6 = arith.constant 0 : index
    %get3A_7 = arith.constant 0 : index
    %get3A_8 = vector.load %arg3[%get3A_6, %get3A_7] : memref<1x256xf32, #tpu.memory_space<vmem>>, vector<1x256xf32>
    %add3A = vector.broadcast %get3A_8 : vector<1x256xf32> to vector<2000x256xf32>
    %add3A_9 = arith.addf %dot_general3A_5, %add3A : vector<2000x256xf32>
    %max3A = arith.constant 0.000000e+00 : f32
    %max3A_10 = vector.broadcast %max3A : f32 to vector<2000x256xf32>
    %max3A_11 = arith.maximumf %add3A_9, %max3A_10 : vector<2000x256xf32>
    %slice3A = vector.extract_strided_slice %max3A_11 {offsets = [0, 0], sizes = [2000, 128], strides = [1, 1]} : vector<2000x256xf32> to vector<2000x128xf32>
    %swap3A = arith.constant 0 : index
    %swap3A_12 = arith.constant 0 : index
    %swap3A_13 = arith.constant 0 : index
    %swap3A_14 = vector.load %arg4[%swap3A, %swap3A_12, %swap3A_13] : memref<2x2000x128xf32, #tpu.memory_space<vmem>>, vector<1x2000x128xf32>
    %swap3A_15 = vector.shape_cast %swap3A_14 : vector<1x2000x128xf32> to vector<2000x128xf32>
    %swap3A_16 = vector.shape_cast %slice3A : vector<2000x128xf32> to vector<1x2000x128xf32>
    tpu.vector_store %arg4[%swap3A, %swap3A_12, %swap3A_13], %swap3A_16 {strides = array<i32>} : memref<2x2000x128xf32, #tpu.memory_space<vmem>>, vector<1x2000x128xf32>,
    %slice3A_17 = vector.extract_strided_slice %max3A_11 {offsets = [0, 128], sizes = [2000, 128], strides = [1, 1]} : vector<2000x256xf32> to vector<2000x128xf32>
    %swap3A_18 = arith.constant 1 : index
    %swap3A_19 = arith.constant 0 : index
    %swap3A_20 = arith.constant 0 : index
    %swap3A_21 = vector.load %arg4[%swap3A_18, %swap3A_19, %swap3A_20] : memref<2x2000x128xf32, #tpu.memory_space<vmem>>, vector<1x2000x128xf32>
    %swap3A_22 = vector.shape_cast %swap3A_21 : vector<1x2000x128xf32> to vector<2000x128xf32>
    %swap3A_23 = vector.shape_cast %slice3A_17 : vector<2000x128xf32> to vector<1x2000x128xf32>
    tpu.vector_store %arg4[%swap3A_18, %swap3A_19, %swap3A_20], %swap3A_23 {strides = array<i32>} : memref<2x2000x128xf32, #tpu.memory_space<vmem>>, vector<1x2000x128xf32>,
    return
  }
  func.func @transform_0(%arg0: i32) -> (i32, i32) {
    %c0_i32 = arith.constant 0 : i32
    %c0_i32_0 = arith.constant 0 : i32
    return %arg0, %c0_i32 : i32, i32
  }
  func.func @transform_1(%arg0: i32) -> (i32, i32) {
    %c0_i32 = arith.constant 0 : i32
    %c0_i32_0 = arith.constant 0 : i32
    %c0_i32_1 = arith.constant 0 : i32
    return %c0_i32, %c0_i32_0 : i32, i32
  }
  func.func @transform_2(%arg0: i32) -> (i32, i32) {
    %c0_i32 = arith.constant 0 : i32
    %c0_i32_0 = arith.constant 0 : i32
    %c0_i32_1 = arith.constant 0 : i32
    return %c0_i32, %c0_i32_0 : i32, i32
  }
  func.func @transform_3(%arg0: i32) -> (i32, i32, i32) {
    %c0_i32 = arith.constant 0 : i32
    %c0_i32_0 = arith.constant 0 : i32
    %c0_i32_1 = arith.constant 0 : i32
    return %c0_i32, %arg0, %c0_i32_0 : i32, i32, i32
  }
}

module attributes {stable_mosaic.version = 14 : i64} {
  func.func @_mm2_body(%arg0: i32, %arg1: memref<2x2000x128xf32, #tpu.memory_space<vmem>>, %arg2: memref<256x256xf32, #tpu.memory_space<vmem>>, %arg3: memref<1x256xf32, #tpu.memory_space<vmem>>, %arg4: memref<2000x256xf32, #tpu.memory_space<vmem>>) attributes {dimension_semantics = [#tpu.dimension_semantics<arbitrary>], iteration_bounds = array<i64: 5>, scalar_prefetch = 0 : i64, scratch_operands = 0 : i64, tpu.core_type = #tpu.core_type<tc>, window_params = [{transform_indices = @transform_0, window_bounds = array<i64: 2, 2000, 128>}, {pipeline_mode = #tpu.pipeline_mode<synchronous>, transform_indices = @transform_1, window_bounds = array<i64: 256, 256>}, {pipeline_mode = #tpu.pipeline_mode<synchronous>, transform_indices = @transform_2, window_bounds = array<i64: 1, 256>}, {transform_indices = @transform_3, window_bounds = array<i64: 2000, 256>}]} {
    %get3A = arith.constant 0 : index
    %get3A_0 = arith.constant 0 : index
    %get3A_1 = arith.constant 0 : index
    %get3A_2 = vector.load %arg1[%get3A, %get3A_0, %get3A_1] : memref<2x2000x128xf32, #tpu.memory_space<vmem>>, vector<1x2000x128xf32>
    %get3A_3 = vector.shape_cast %get3A_2 : vector<1x2000x128xf32> to vector<2000x128xf32>
    %get3A_4 = arith.constant 0 : index
    %get3A_5 = arith.constant 0 : index
    %get3A_6 = vector.load %arg2[%get3A_4, %get3A_5] : memref<256x256xf32, #tpu.memory_space<vmem>>, vector<128x256xf32>
    %dot_general3A = arith.constant dense<0.000000e+00> : vector<2000x256xf32>
    %dot_general3A_7 = tpu.matmul %get3A_3, %get3A_6, %dot_general3A {dimension_numbers = #tpu.dot_dimension_numbers<[1], [0], [0], [1], [0, 0, 1, 1], [], []>, transpose_lhs_hint = false} : vector<2000x128xf32>, vector<128x256xf32>, vector<2000x256xf32> -> vector<2000x256xf32>
    %get3A_8 = arith.constant 1 : index
    %get3A_9 = arith.constant 0 : index
    %get3A_10 = arith.constant 0 : index
    %get3A_11 = vector.load %arg1[%get3A_8, %get3A_9, %get3A_10] : memref<2x2000x128xf32, #tpu.memory_space<vmem>>, vector<1x2000x128xf32>
    %get3A_12 = vector.shape_cast %get3A_11 : vector<1x2000x128xf32> to vector<2000x128xf32>
    %get3A_13 = arith.constant 128 : index
    %get3A_14 = arith.constant 0 : index
    %get3A_15 = vector.load %arg2[%get3A_13, %get3A_14] : memref<256x256xf32, #tpu.memory_space<vmem>>, vector<128x256xf32>
    %dot_general3A_16 = arith.constant dense<0.000000e+00> : vector<2000x256xf32>
    %dot_general3A_17 = tpu.matmul %get3A_12, %get3A_15, %dot_general3A_16 {dimension_numbers = #tpu.dot_dimension_numbers<[1], [0], [0], [1], [0, 0, 1, 1], [], []>, transpose_lhs_hint = false} : vector<2000x128xf32>, vector<128x256xf32>, vector<2000x256xf32> -> vector<2000x256xf32>
    %add3A = arith.addf %dot_general3A_7, %dot_general3A_17 : vector<2000x256xf32>
    %get3A_18 = arith.constant 0 : index
    %get3A_19 = arith.constant 0 : index
    %get3A_20 = vector.load %arg3[%get3A_18, %get3A_19] : memref<1x256xf32, #tpu.memory_space<vmem>>, vector<1x256xf32>
    %add3A_21 = vector.broadcast %get3A_20 : vector<1x256xf32> to vector<2000x256xf32>
    %add3A_22 = arith.addf %add3A, %add3A_21 : vector<2000x256xf32>
    %max3A = arith.constant 0.000000e+00 : f32
    %max3A_23 = vector.broadcast %max3A : f32 to vector<2000x256xf32>
    %max3A_24 = arith.maximumf %add3A_22, %max3A_23 : vector<2000x256xf32>
    %swap3A = arith.constant 0 : index
    %swap3A_25 = arith.constant 0 : index
    %swap3A_26 = vector.load %arg4[%swap3A, %swap3A_25] : memref<2000x256xf32, #tpu.memory_space<vmem>>, vector<2000x256xf32>
    tpu.vector_store %arg4[%swap3A, %swap3A_25], %max3A_24 {strides = array<i32>} : memref<2000x256xf32, #tpu.memory_space<vmem>>, vector<2000x256xf32>,
    return
  }
  func.func @transform_0(%arg0: i32) -> (i32, i32, i32) {
    %c0_i32 = arith.constant 0 : i32
    %c0_i32_0 = arith.constant 0 : i32
    %c0_i32_1 = arith.constant 0 : i32
    return %c0_i32, %arg0, %c0_i32_0 : i32, i32, i32
  }
  func.func @transform_1(%arg0: i32) -> (i32, i32) {
    %c0_i32 = arith.constant 0 : i32
    %c0_i32_0 = arith.constant 0 : i32
    %c0_i32_1 = arith.constant 0 : i32
    return %c0_i32, %c0_i32_0 : i32, i32
  }
  func.func @transform_2(%arg0: i32) -> (i32, i32) {
    %c0_i32 = arith.constant 0 : i32
    %c0_i32_0 = arith.constant 0 : i32
    %c0_i32_1 = arith.constant 0 : i32
    return %c0_i32, %c0_i32_0 : i32, i32
  }
  func.func @transform_3(%arg0: i32) -> (i32, i32) {
    %c0_i32 = arith.constant 0 : i32
    %c0_i32_0 = arith.constant 0 : i32
    return %arg0, %c0_i32 : i32, i32
  }
}

</mosaic_0001>

<sc_bundles>
// kernel: kernel.5.cloned.1.call-start
scs
__scs_entry_jumppad:
0x0: {  	(pc) =	sbr.rel $0x88, $3  }
0x1: {  	(tag) =	ssettag $0x0;
	lr =	simm.s32 $0x1  }
0x2: {  	[smem:$0x3F9B] =	sst lr;
	_ =	strace $0xD0000000  }
0x3: {  	_ = 	snop  }
0x4: {  	_ = 	snop  }
0x5: {  	_ = 	snop  }
0x6: {  	_ = 	snop  }
0x7: {  	_ = 	snop  }
__scs_overlays_trampoline_lowered:
0x8: {  	[smem:$0x3FAA] =	sst s0  }
0x9: {  	[smem:$0x3FAB] =	sst s1  }
0xa: {  	[smem:$0x3FAC] =	sst s2  }
0xb: {  	[smem:$0x3FAD] =	sst s3  }
0xc: {  	[smem:$0x3FAE] =	sst s4  }
0xd: {  	[smem:$0x3FAF] =	sst s5  }
0xe: {  	[smem:$0x3FB0] =	sst s6  }
0xf: {  	[smem:$0x3FB1] =	sst s7  }
0x10: {  	[smem:$0x3FB2] =	sst s8  }
0x11: {  	[smem:$0x3FB3] =	sst s9;
	s0 =	simm.s32 @!p0 $0x0  }
0x12: {  	s1 =	sld [smem:$0x3F99];
	s0 =	simm.s32 @p0 $0x1  }
0x13: {  	[smem:$0x3FB4] =	sst s0;
	s0 =	simm.s32 @!p1 $0x0  }
0x14: {  	s2 =	sld [smem:$0x3F98];
	s0 =	simm.s32 @p1 $0x1  }
0x15: {  	[smem:$0x3FB5] =	sst s0;
	s0 =	simm.s32 @!p2 $0x0  }
0x16: {  	s3 =	sld [smem:$0x3FDB];
	s0 =	simm.s32 @p2 $0x1  }
0x17: {  	s4 =	simm.s32 $0x1BF5;
	[smem:$0x3FB7] =	sst s0  }
0x18: {  	s0 =	sld [smem:$0x3F9A];
	_ =	swait.ge [sflag:s4], $0x0  }
0x19: {  	s7 =	sld [smem:$0x3F9B]  }
0x1a: {  	s8 =	sadd.s32 $0xFFFFE003, lr  }
0x1b: {  	s9 =	sadd.s32 $0xFFFFFEF7, lr;
	s5 =	simm.s32 $0xFFFFFFFF;
	p2 =	slt.u32 s8, $0xFFFFF086  }
0x1c: {  	p1 =	slt.u32 s9, $0xF7A;
	s5 =	simm.s32 @!p2 $0x0  }
0x1d: {  	s5 =	simm.s32 @p1 $0x1;
	p0 =	seq.s32 s7, s2  }
0x1e: {  	s7 =	smul.u32 @!p0 $0xF7A, s2;
	p2 =	seq.s32 @!p0 s5, $0x0  }
0x1f: {  	s9 =	smul.u32 $0xF7A, s1;
	s8 =	simm.s32 @!p0 $0x1BF5;
	p2 =	por !p2, p0  }
0x20: {  	[sflag:s8] =	ssyncset.s32 @!p0 $0xFFFFF086;
	s6 =	sadd.s32 @!p0 s3, s7;
	s7 =	simm.s32 @!p0 $0x108  }
0x21: {  	s3 =	sadd.s32 s3, s9;
	s6 =	sadd.s32 @!p0 $0x88, s6;
	s7 =	simm.s32 @p2 $0x1082  }
0x22: {  	[simem:s7], [sflag:s8] =	dma.local @!p0 [hbm:s6], $0xF7A  }
0x23: {  	s9 =	sor.u32 $0xD0000000, s2;
	s6 =	simm.s32 $0x108;
	_ =	swait.ge @!p0 [sflag:s8], $0x0  }
0x24: {  	s3 =	sadd.s32 $0x88, s3;
	s6 =	simm.s32 @!p1 $0x1082;
	[sflag:s4] =	ssyncset.s32 $0xFFFFF086  }
0x25: {  	[simem:s6], [sflag:s4] =	dma.local [hbm:s3], $0xF7A  }
0x26: {  	[smem:$0x3F9B] =	sst s1;
	(tag) =	ssettag s2;
	_ =	strace s9  }
0x27: {  	s1 =	sld [smem:$0x3FAB]  }
0x28: {  	s2 =	sld [smem:$0x3FAC]  }
0x29: {  	s4 =	sld [smem:$0x3FAE]  }
0x2a: {  	p0 =	seq.s32 s5, $0x0;
	s5 =	sld [smem:$0x3FAF]  }
0x2b: {  	s6 =	sld [smem:$0x3FB0]  }
0x2c: {  	s7 =	sld [smem:$0x3FB1]  }
0x2d: {  	s3 =	simm.s32 $0x108;
	s8 =	sld [smem:$0x3FB2]  }
0x2e: {  	s3 =	simm.s32 @!p0 $0x1082;
	s9 =	sld [smem:$0x3FB3]  }
0x2f: {  	lr =	sadd.s32 s0, s3;
	s0 =	sld [smem:$0x3FAA]  }
0x30: {  	s3 =	sld [smem:$0x3FAD]  }
0x31: {  	[smem:$0x3FB6] =	sst s10  }
0x32: {  	s10 =	sld [smem:$0x3FB4];
	_ =	sdelay $0x3  }
0x33: {  	p0 =	seq.s32 s10, $0x1;
	s10 =	sld [smem:$0x3FB6];
	_ =	sdelay $0x3  }
0x34: {  	[smem:$0x3FB6] =	sst s10  }
0x35: {  	s10 =	sld [smem:$0x3FB5];
	_ =	sdelay $0x3  }
0x36: {  	p1 =	seq.s32 s10, $0x1;
	s10 =	sld [smem:$0x3FB6];
	_ =	sdelay $0x3  }
0x37: {  	[smem:$0x3FB6] =	sst s10  }
0x38: {  	s10 =	sld [smem:$0x3FB7]  }
0x39: {  	_ = 	snop;
	(pc) =	sbr.ind lr, $3  }
0x3a: {  	_ = 	snop  }
0x3b: {  	_ = 	snop  }
0x3c: {  	p2 =	seq.s32 s10, $0x1;
	s10 =	sld [smem:$0x3FB6]  }
0x3d: {  	_ =	shalt  }
0x3e: {  	_ =	shalt  }
0x3f: {  	_ =	shalt  }
0x40: {  	_ =	shalt  }
0x41: {  	_ =	shalt  }
0x42: {  	_ =	shalt  }
0x43: {  	_ =	shalt  }
0x44: {  	_ =	shalt  }
0x45: {  	_ =	shalt  }
0x46: {  	_ =	shalt  }
0x47: {  	_ =	shalt  }
0x48: {  	_ =	shalt  }
0x49: {  	_ =	shalt  }
0x4a: {  	_ =	shalt  }
0x4b: {  	_ =	shalt  }
0x4c: {  	_ =	shalt  }
0x4d: {  	_ =	shalt  }
0x4e: {  	_ =	shalt  }
0x4f: {  	_ =	shalt  }
0x50: {  	_ =	shalt  }
0x51: {  	_ =	shalt  }
0x52: {  	_ =	shalt  }
0x53: {  	_ =	shalt  }
0x54: {  	_ =	shalt  }
0x55: {  	_ =	shalt  }
0x56: {  	_ =	shalt  }
0x57: {  	_ =	shalt  }
0x58: {  	_ =	shalt  }
0x59: {  	_ =	shalt  }
0x5a: {  	_ =	shalt  }
0x5b: {  	_ =	shalt  }
0x5c: {  	_ =	shalt  }
0x5d: {  	_ =	shalt  }
0x5e: {  	_ =	shalt  }
0x5f: {  	_ =	shalt  }
0x60: {  	_ =	shalt  }
0x61: {  	_ =	shalt  }
0x62: {  	_ =	shalt  }
0x63: {  	_ =	shalt  }
0x64: {  	_ =	shalt  }
0x65: {  	_ =	shalt  }
0x66: {  	_ =	shalt  }
0x67: {  	_ =	shalt  }
0x68: {  	_ =	shalt  }
0x69: {  	_ =	shalt  }
0x6a: {  	_ =	shalt  }
0x6b: {  	_ =	shalt  }
0x6c: {  	_ =	shalt  }
0x6d: {  	_ =	shalt  }
0x6e: {  	_ =	shalt  }
0x6f: {  	_ =	shalt  }
0x70: {  	_ =	shalt  }
0x71: {  	_ =	shalt  }
0x72: {  	_ =	shalt  }
0x73: {  	_ =	shalt  }
0x74: {  	_ =	shalt  }
0x75: {  	_ =	shalt  }
0x76: {  	_ =	shalt  }
0x77: {  	_ =	shalt  }
0x78: {  	_ =	shalt  }
0x79: {  	_ =	shalt  }
0x7a: {  	_ =	shalt  }
0x7b: {  	_ =	shalt  }
0x7c: {  	_ =	shalt  }
0x7d: {  	_ =	shalt  }
0x7e: {  	_ =	shalt  }
0x7f: {  	_ =	shalt  }
0x80: {  	_ =	shalt  }
0x81: {  	_ =	shalt  }
0x82: {  	_ =	shalt  }
0x83: {  	_ =	shalt  }
0x84: {  	_ =	shalt  }
0x85: {  	_ =	shalt  }
0x86: {  	_ =	shalt  }
0x87: {  	_ =	shalt  }
.Lfunc_end0:
.L_simem_size_0:
called_computation_lowered:
.L_overlay_start_0:
0x88: {  	s2 =	sld [smem:$0x3FD9]  }
0x89: {  	s3 =	sld [smem:$0x3FFE];
	_ =	sdelay $0x1  }
0x8a: {  	s1 =	srdreg.scid  }
0x8b: {  	s0 =	sand.u32 $0x1, s1  }
0x8c: {  	s17 =	sshll.u32 s0, $0xA;
	s2 =	sadd.s32 s3, s2  }
0x8d: {  	s2 =	sadd.s32 s2, s17  }
0x8e: {  	[smem:$0x3FC2] =	sst s2  }
0x8f: {  	_ = 	snop  }
0x90: {  	s2 =	sld [smem:$0x3FD0];
	(tm) =	ssettm $0x1  }
0x91: {  	s18 =	sld [smem:$0x3FFB];
	_ =	sdelay $0x3  }
0x92: {  	_ =	strace s18  }
0x93: {  	s3 =	sld [smem:$0x3FFC];
	_ =	sdelay $0x3  }
0x94: {  	_ =	strace s3  }
0x95: {  	s3 =	sld [smem:$0x3FFD];
	_ =	sdelay $0x3  }
0x96: {  	_ =	strace s3  }
0x97: {  	_ =	strace $0x8FFFFFFF  }
0x98: {  	s19 =	sld [smem:$0x3FDB];
	_ =	sdelay $0x1  }
0x99: {  	s4 =	simm.s32 $_scs_section_size  }
0x9a: {  	s5 =	simm.s32 $_size__tile_overlayer_lowered;
	s6 =	simm.s32 $_tile_overlayer_lowered  }
0x9b: {  	s22 =	simm.s32 $0x1BFF;
	s21 =	sshll.u32 s6, $0x1;
	s3 =	sadd.s32 s4, s19  }
0x9c: {  	s7 =	simm.s32 $0x0;
	s20 =	sshll.u32 s5, $0x1;
	s5 =	sadd.s32 s21, s3  }
0x9d: {  	[timem:s7], [sflag:s22] =	dma.local [hbm:s5], s20  }
0x9e: {  	_ =	swait.ge [sflag:s22], s20  }
0x9f: {  	s4 =	ssub.s32 $0x0, s20;
	[sflag:s22] =	ssyncset.done $0x0  }
0xa0: {  	[sflag:s22] =	ssyncadd.s32 s4;
	_ =	sdelay $0x1  }
0xa1: {  	s23 =	simm.s32 $0x1B8B  }
0xa2: {  	_ =	swait.ge [sflag:s23], $0x1  }
0xa3: {  	[sflag:s23] =	ssyncset.done $0x0  }
0xa4: {  	s25 =	simm.s32 $0x1B8E;
	s24 =	sld [smem:$0x3FFE];
	[sflag:s23] =	ssyncadd.s32 $0xFFFFFFFF  }
0xa5: {  	s26 =	simm.s32 $execute0_lowered;
	[smem:$0x3FD2] =	sst s25  }
0xa6: {  	s5 =	sshll.u32 s26, $0x1;
	_ =	strace $0x80000046;
	[dreg:$0x1] =	wrdreg $0xFFFFFFFF  }
0xa7: {  	s28 =	simm.s32 $_size_execute0_lowered;
	s3 =	sadd.s32 s3, s5;
	[dreg:$0x0] =	wrdreg $0x0  }
0xa8: {  	s5 =	sshll.u32 s28, $0x1;
	[dreg:$0x2] =	wrdreg s3  }
0xa9: {  	[dreg:$0x3] =	wrdreg s5  }
0xaa: {  	[dreg:$0x4] =	wrdreg $0xC0  }
0xab: {  	_ =	task [dreg:s7], $0x5FFFF  }
0xac: {  	[dreg:$0x1] =	wrdreg $0xFFFFFFFF  }
0xad: {  	[dreg:$0x0] =	wrdreg $0x60  }
0xae: {  	[dreg:$0x2] =	wrdreg s2  }
0xaf: {  	[dreg:$0x3] =	wrdreg s24  }
0xb0: {  	[dreg:$0x4] =	wrdreg $0x0  }
0xb1: {  	[dreg:$0x5] =	wrdreg $0x9  }
0xb2: {  	_ =	task.clear_ibuf [dreg:s7], $0x6FFFF;
	_ =	strace $0x90000046  }
0xb3: {  	s29 =	simm.s32 $0x9;
	_ =	strace $0x80000048  }
0xb4: {  	_ =	swait.ge [sflag:s29], $0x1  }
0xb5: {  	[sflag:s29] =	ssyncadd.s32 $0xFFFFFFFF  }
0xb6: {  	_ =	strace $0x90000048  }
0xb7: {  	_ =	sfence  }
0xb8: {  	s30 =	sld [smem:$0x0];
	_ =	sdelay $0x2  }
0xb9: {  	s31 =	sshll.u32 s1, $0xD;
	s1 =	sshrl.u32 s1, $0x2  }
0xba: {  	s3 =	sand.u32 $0x4000, s31;
	s1 =	sadd.s32 s1, s30  }
0xbb: {  	s0 =	sor.u32 s3, s0;
	s1 =	sshll.u32 s1, $0x11  }
0xbc: {  	s0 =	sor.u32 s1, s0  }
0xbd: {  	s0 =	sadd.s32 $0x8F2B, s0  }
0xbe: {  	[sflag:s0] =	ssyncadd.remote.s32 $0x1  }
0xbf: {  	_ =	sfence.sel $0xFFFF  }
0xc0: {  	[dreg:$0x0] =	wrdreg $0xFFFFFFFF;
	(pc) =	sbr.abs _section_cstart, $3  }
0xc1: {  	[dreg:$0x1] =	wrdreg $0xFFFFFFFF  }
0xc2: {  	_ =	task.clear_ibuf [dreg:s7], $0x2FFFF;
	_ =	strace $0x9FFFFFFF  }
0xc3: {  	(tm) =	ssettm $0x7FFFFFFF  }
tec
execute0_lowered:
.L_overlay_start_1:
0x0: {  	(tag) =	ssettag $0x1  }
0x1: {  	s1 =	rddreg [dreg:$0x0]  }
0x2: {  	s0 =	rddreg [dreg:$0x1]  }
0x3: {  	s2 =	rddreg [dreg:$0x2];
	s3 =	srdreg.scid;
	s6 =	simm.s32 $0x0  }
0x4: {  	s4 =	stileid.u32;
	s15 =	simm.s32 $0x1E100;
	s16 =	simm.s32 $0x1E200  }
0x5: {  	s17 =	simm.s32 $0x1E300;
	s18 =	simm.s32 $0x1E400;
	s19 =	simm.s32 $0x1E080  }
0x6: {  	s20 =	simm.s32 $0x1E500;
	s21 =	simm.s32 $0x1E180;
	s22 =	simm.s32 $0x1E600  }
0x7: {  	s23 =	simm.s32 $0x1E280;
	s24 =	simm.s32 $0x1E700;
	s25 =	simm.s32 $0x1E380  }
0x8: {  	s26 =	simm.s32 $0x1E800;
	s28 =	simm.s32 $0x1E480;
	[smem:$0x7FF] =	sst s6  }
0x9: {  	s29 =	simm.s32 $0xA;
	_ =	strace $0x80000047;
	[dreg:$0x5] =	wrdreg s15  }
0xa: {  	s30 =	simm.s32 $0x1E900;
	s10 =	smul.u32 $0x2800, s4;
	[dreg:$0x6] =	wrdreg s16  }
0xb: {  	s31 =	simm.s32 $0x1E580;
	s8 =	smul.u32 $0x50000, s4;
	[dreg:$0x7] =	wrdreg s17  }
0xc: {  	s3 =	sand.u32 $0x1, s3;
	s9 =	smul.u32 $0x1800, s4;
	[dreg:$0x8] =	wrdreg s18  }
0xd: {  	s13 =	sshll.u32 s4, $0x6;
	s5 =	smul.u32 $0x18000, s3;
	[dreg:$0x9] =	wrdreg s19  }
0xe: {  	s7 =	smul.u32 $0x28000, s3;
	s3 =	ssub.s32 $0x2, s3;
	[dreg:$0xa] =	wrdreg s20  }
0xf: {  	s15 =	simm.s32 $0x18000;
	s16 =	simm.s32 $0x1A000;
	[dreg:$0xb] =	wrdreg s21  }
0x10: {  	s17 =	simm.s32 $0x1C000;
	s18 =	simm.s32 $0x1;
	[dreg:$0xc] =	wrdreg s22  }
0x11: {  	s19 =	simm.s32 $0x6;
	s20 =	simm.s32 $0x2;
	[dreg:$0xd] =	wrdreg s23  }
0x12: {  	s21 =	simm.s32 $0x7;
	s22 =	simm.s32 $0x3;
	[dreg:$0xe] =	wrdreg s24  }
0x13: {  	s23 =	simm.s32 $0x8;
	s24 =	simm.s32 $0x4;
	[dreg:$0xf] =	wrdreg s25  }
0x14: {  	[dreg:$0x10] =	wrdreg s26;
	s25 =	simm.s32 $0x9;
	s26 =	simm.s32 $0x5  }
0x15: {  	s11 =	sshrl.u32 s3, $0x1;
	s12 =	sshrl.u32 s8, $0x2;
	s8 =	sor.u32 $0x1C0B, s13  }
0x16: {  	s13 =	simm.s32 $0x14000;
	s5 =	sadd.s32 s5, s0;
	s6 =	sadd.s32 s10, s7  }
0x17: {  	s10 =	sadd.s32 $0x31400, s0;
	s3 =	ssub.s32 s3, s11;
	[dreg:$0x12] =	wrdreg s8  }
0x18: {  	s11 =	simm.s32 $0x1E000;
	s7 =	simm.s32 $0x1E980;
	[dreg:$0x11] =	wrdreg s10  }
0x19: {  	s0 =	sadd.s32 s6, s0;
	s5 =	sadd.s32 s9, s5;
	s6 =	sadd.s32 s12, s2  }
0x1a: {  	s14 =	smax.u32 s3, $0x1;
	s10 =	simm.s32 $0xB;
	s12 =	simm.s32 $0x40  }
0x1b: {  	s3 =	simm.s32 $0x1E780;
	s0 =	sadd.s32 $0x33C00, s0;
	[dreg:$0x14] =	wrdreg s14  }
0x1c: {  	s9 =	simm.s32 $0x0;
	s5 =	sadd.s32 $0x1400, s5;
	[dreg:$0x13] =	wrdreg s0  }
0x1d: {  	s6 =	sshrl.u32 s6, $0x3;
	s14 =	simm.s32 $0x16000;
	[dreg:$0x4] =	wrdreg s5  }
0x1e: {  	s0 =	simm.s32 $0x1E680;
	s5 =	simm.s32 $0x1E880;
	[dreg:$0x15] =	wrdreg s6  }
.LBB2_1:
0x1f: {  	[dreg:$0x16] =	wrdreg s9  }
0x20: {  	s4 =	rddreg [dreg:$0x11]  }
0x21: {  	[spmem:s6], [sflag:s8] =	dma.local [hbm:s4], $0x2800  }
0x22: {  	_ =	swait.ge [sflag:s10], $0x2800  }
0x23: {  	[sflag:s10] =	ssyncset.done $0x0  }
0x24: {  	[sflag:s10] =	ssyncadd.s32 $0xFFFFD800  }
0x25: {  	[bflag:$0x0] =	sbarrier.arrive $0xFFFF  }
0x26: {  	s4 =	rddreg [dreg:$0x4]  }
0x27: {  	s8 =	simm.s32 $0x0;
	s6 =	sadd.s32 $0x0, s4  }
0x28: {  	[tilespmem:s11], [sflag:$0xB] =	stream.linear.gather [hbm4b:s6+s8], $0xA00, $0x38;
	[tilespmem:$0x1EC00] =	vst v63  }
0x29: {  	_ =	swait.ge [sflag:s10], $0xA00  }
0x2a: {  	[sflag:s10] =	ssyncset.done $0x0  }
0x2b: {  	[sflag:s10] =	ssyncadd.s32 $0xFFFFF600  }
0x2c: {  	[tilespmem:s13], [sflag:$0x1] =	stream.indirect.gather [hbm4b:s1+s12], $0x80, s11, s12, $0xb8;
	[tilespmem:$0x1EC00] =	vst v63  }
0x2d: {  	s9 =	rddreg [dreg:$0x5]  }
0x2e: {  	[tilespmem:s14], [sflag:$0x2] =	stream.indirect.gather [hbm4b:s1+s12], $0x80, s9, s12, $0xb8;
	[tilespmem:$0x1EC00] =	vst v63  }
0x2f: {  	s4 =	rddreg [dreg:$0x6]  }
0x30: {  	[tilespmem:s15], [sflag:$0x3] =	stream.indirect.gather [hbm4b:s1+s12], $0x80, s4, s12, $0xb8;
	[tilespmem:$0x1EC00] =	vst v63  }
0x31: {  	s9 =	rddreg [dreg:$0x7]  }
0x32: {  	[tilespmem:s16], [sflag:$0x4] =	stream.indirect.gather [hbm4b:s1+s12], $0x80, s9, s12, $0xb8;
	[tilespmem:$0x1EC00] =	vst v63  }
0x33: {  	s4 =	rddreg [dreg:$0x8]  }
0x34: {  	[tilespmem:s17], [sflag:$0x5] =	stream.indirect.gather [hbm4b:s1+s12], $0x80, s4, s12, $0xb8;
	[tilespmem:$0x1EC00] =	vst v63  }
0x35: {  	_ =	swait.ge [sflag:s18], $0x2000  }
0x36: {  	[sflag:s18] =	ssyncset.done $0x0  }
0x37: {  	s8 =	rddreg [dreg:$0x9];
	[sflag:s18] =	ssyncadd.s32 $0xFFFFE000  }
0x38: {  	[spmem:s2] =	stream.indirect.scatter.add.f32 [tilespmem:s13], [sflag:$0x6], $0x80, s8, s12, $0xb8;
	[tilespmem:$0x1EC00] =	vst v63  }
0x39: {  	_ =	swait.ge [sflag:s19], $0x2000  }
0x3a: {  	[sflag:s19] =	ssyncset.done $0x0  }
0x3b: {  	s9 =	rddreg [dreg:$0xa];
	[sflag:s19] =	ssyncadd.s32 $0xFFFFE000  }
0x3c: {  	[tilespmem:s13], [sflag:$0x1] =	stream.indirect.gather [hbm4b:s1+s12], $0x80, s9, s12, $0xb8;
	[tilespmem:$0x1EC00] =	vst v63  }
0x3d: {  	_ =	swait.ge [sflag:s20], $0x2000  }
0x3e: {  	[sflag:s20] =	ssyncset.done $0x0  }
0x3f: {  	s4 =	rddreg [dreg:$0xb];
	[sflag:s20] =	ssyncadd.s32 $0xFFFFE000  }
0x40: {  	[spmem:s2] =	stream.indirect.scatter.add.f32 [tilespmem:s14], [sflag:$0x7], $0x80, s4, s12, $0xb8;
	[tilespmem:$0x1EC00] =	vst v63  }
0x41: {  	_ =	swait.ge [sflag:s21], $0x2000  }
0x42: {  	[sflag:s21] =	ssyncset.done $0x0  }
0x43: {  	s8 =	rddreg [dreg:$0xc];
	[sflag:s21] =	ssyncadd.s32 $0xFFFFE000  }
0x44: {  	[tilespmem:s14], [sflag:$0x2] =	stream.indirect.gather [hbm4b:s1+s12], $0x80, s8, s12, $0xb8;
	[tilespmem:$0x1EC00] =	vst v63  }
0x45: {  	_ =	swait.ge [sflag:s22], $0x2000  }
0x46: {  	[sflag:s22] =	ssyncset.done $0x0  }
0x47: {  	s9 =	rddreg [dreg:$0xd];
	[sflag:s22] =	ssyncadd.s32 $0xFFFFE000  }
0x48: {  	[spmem:s2] =	stream.indirect.scatter.add.f32 [tilespmem:s15], [sflag:$0x8], $0x80, s9, s12, $0xb8;
	[tilespmem:$0x1EC00] =	vst v63  }
0x49: {  	_ =	swait.ge [sflag:s23], $0x2000  }
0x4a: {  	[sflag:s23] =	ssyncset.done $0x0  }
0x4b: {  	s4 =	rddreg [dreg:$0xe];
	[sflag:s23] =	ssyncadd.s32 $0xFFFFE000  }
0x4c: {  	[tilespmem:s15], [sflag:$0x3] =	stream.indirect.gather [hbm4b:s1+s12], $0x80, s4, s12, $0xb8;
	[tilespmem:$0x1EC00] =	vst v63  }
0x4d: {  	_ =	swait.ge [sflag:s24], $0x2000  }
0x4e: {  	[sflag:s24] =	ssyncset.done $0x0  }
0x4f: {  	s8 =	rddreg [dreg:$0xf];
	[sflag:s24] =	ssyncadd.s32 $0xFFFFE000  }
0x50: {  	[spmem:s2] =	stream.indirect.scatter.add.f32 [tilespmem:s16], [sflag:$0x9], $0x80, s8, s12, $0xb8;
	[tilespmem:$0x1EC00] =	vst v63  }
0x51: {  	_ =	swait.ge [sflag:s25], $0x2000  }
0x52: {  	[sflag:s25] =	ssyncset.done $0x0  }
0x53: {  	s9 =	rddreg [dreg:$0x10];
	[sflag:s25] =	ssyncadd.s32 $0xFFFFE000  }
0x54: {  	[tilespmem:s16], [sflag:$0x4] =	stream.indirect.gather [hbm4b:s1+s12], $0x80, s9, s12, $0xb8;
	[tilespmem:$0x1EC00] =	vst v63  }
0x55: {  	_ =	swait.ge [sflag:s26], $0x2000  }
0x56: {  	[sflag:s26] =	ssyncset.done $0x0  }
0x57: {  	[sflag:s26] =	ssyncadd.s32 $0xFFFFE000  }
0x58: {  	[spmem:s2] =	stream.indirect.scatter.add.f32 [tilespmem:s17], [sflag:$0xA], $0x80, s28, s12, $0xb8;
	[tilespmem:$0x1EC00] =	vst v63  }
0x59: {  	_ =	swait.ge [sflag:s29], $0x2000  }
0x5a: {  	[sflag:s29] =	ssyncset.done $0x0  }
0x5b: {  	[sflag:s29] =	ssyncadd.s32 $0xFFFFE000  }
0x5c: {  	[tilespmem:s17], [sflag:$0x5] =	stream.indirect.gather [hbm4b:s1+s12], $0x80, s30, s12, $0xb8;
	[tilespmem:$0x1EC00] =	vst v63  }
0x5d: {  	_ =	swait.ge [sflag:s18], $0x2000  }
0x5e: {  	[sflag:s18] =	ssyncset.done $0x0  }
0x5f: {  	[sflag:s18] =	ssyncadd.s32 $0xFFFFE000  }
0x60: {  	[spmem:s2] =	stream.indirect.scatter.add.f32 [tilespmem:s13], [sflag:$0x6], $0x80, s31, s12, $0xb8;
	[tilespmem:$0x1EC00] =	vst v63  }
0x61: {  	_ =	swait.ge [sflag:s19], $0x2000  }
0x62: {  	[sflag:s19] =	ssyncset.done $0x0  }
0x63: {  	[sflag:s19] =	ssyncadd.s32 $0xFFFFE000  }
0x64: {  	_ =	swait.ge [sflag:s20], $0x2000  }
0x65: {  	[sflag:s20] =	ssyncset.done $0x0  }
0x66: {  	[sflag:s20] =	ssyncadd.s32 $0xFFFFE000  }
0x67: {  	[spmem:s2] =	stream.indirect.scatter.add.f32 [tilespmem:s14], [sflag:$0x7], $0x80, s0, s12, $0xb8;
	[tilespmem:$0x1EC00] =	vst v63  }
0x68: {  	_ =	swait.ge [sflag:s21], $0x2000  }
0x69: {  	[sflag:s21] =	ssyncset.done $0x0  }
0x6a: {  	[sflag:s21] =	ssyncadd.s32 $0xFFFFE000  }
0x6b: {  	_ =	swait.ge [sflag:s22], $0x2000  }
0x6c: {  	[sflag:s22] =	ssyncset.done $0x0  }
0x6d: {  	[sflag:s22] =	ssyncadd.s32 $0xFFFFE000  }
0x6e: {  	[spmem:s2] =	stream.indirect.scatter.add.f32 [tilespmem:s15], [sflag:$0x8], $0x80, s3, s12, $0xb8;
	[tilespmem:$0x1EC00] =	vst v63  }
0x6f: {  	_ =	swait.ge [sflag:s23], $0x2000  }
0x70: {  	[sflag:s23] =	ssyncset.done $0x0  }
0x71: {  	[sflag:s23] =	ssyncadd.s32 $0xFFFFE000  }
0x72: {  	_ =	swait.ge [sflag:s24], $0x2000  }
0x73: {  	[sflag:s24] =	ssyncset.done $0x0  }
0x74: {  	[sflag:s24] =	ssyncadd.s32 $0xFFFFE000  }
0x75: {  	[spmem:s2] =	stream.indirect.scatter.add.f32 [tilespmem:s16], [sflag:$0x9], $0x80, s5, s12, $0xb8;
	[tilespmem:$0x1EC00] =	vst v63  }
0x76: {  	_ =	swait.ge [sflag:s25], $0x2000  }
0x77: {  	[sflag:s25] =	ssyncset.done $0x0  }
0x78: {  	[sflag:s25] =	ssyncadd.s32 $0xFFFFE000  }
0x79: {  	_ =	swait.ge [sflag:s26], $0x2000  }
0x7a: {  	[sflag:s26] =	ssyncset.done $0x0  }
0x7b: {  	[sflag:s26] =	ssyncadd.s32 $0xFFFFE000  }
0x7c: {  	[spmem:s2] =	stream.indirect.scatter.add.f32 [tilespmem:s17], [sflag:$0xA], $0x80, s7, s12, $0xb8;
	[tilespmem:$0x1EC00] =	vst v63  }
0x7d: {  	s6 =	simm.s32 $0x180;
	_ =	swait.ge [sflag:s29], $0x2000  }
0x7e: {  	s9 =	simm.s32 $0x300;
	s8 =	rddreg [dreg:$0x4];
	[sflag:s29] =	ssyncset.done $0x0  }
.LBB2_2:
0x7f: {  	[sflag:s29] =	ssyncadd.s32 $0xFFFFE000;
	s4 =	smov.u32 s9  }
0x80: {  	s8 =	sadd.s32 s6, s8;
	s6 =	smov.u32 s4;
	s4 =	simm.s32 $0x0  }
0x81: {  	[tilespmem:s11], [sflag:$0xB] =	stream.linear.gather [hbm4b:s8+s4], $0xA00, $0x38;
	[tilespmem:$0x1EC00] =	vst v63  }
0x82: {  	_ =	swait.ge [sflag:s10], $0xA00  }
0x83: {  	[sflag:s10] =	ssyncset.done $0x0  }
0x84: {  	[sflag:s10] =	ssyncadd.s32 $0xFFFFF600  }
0x85: {  	[tilespmem:s13], [sflag:$0x1] =	stream.indirect.gather [hbm4b:s1+s12], $0x80, s11, s12, $0xb8;
	[tilespmem:$0x1EC00] =	vst v63  }
0x86: {  	s4 =	rddreg [dreg:$0x5]  }
0x87: {  	[tilespmem:s14], [sflag:$0x2] =	stream.indirect.gather [hbm4b:s1+s12], $0x80, s4, s12, $0xb8;
	[tilespmem:$0x1EC00] =	vst v63  }
0x88: {  	s8 =	rddreg [dreg:$0x6]  }
0x89: {  	[tilespmem:s15], [sflag:$0x3] =	stream.indirect.gather [hbm4b:s1+s12], $0x80, s8, s12, $0xb8;
	[tilespmem:$0x1EC00] =	vst v63  }
0x8a: {  	s4 =	rddreg [dreg:$0x7]  }
0x8b: {  	[tilespmem:s16], [sflag:$0x4] =	stream.indirect.gather [hbm4b:s1+s12], $0x80, s4, s12, $0xb8;
	[tilespmem:$0x1EC00] =	vst v63  }
0x8c: {  	s8 =	rddreg [dreg:$0x8]  }
0x8d: {  	[tilespmem:s17], [sflag:$0x5] =	stream.indirect.gather [hbm4b:s1+s12], $0x80, s8, s12, $0xb8;
	[tilespmem:$0x1EC00] =	vst v63  }
0x8e: {  	_ =	swait.ge [sflag:s18], $0x2000  }
0x8f: {  	[sflag:s18] =	ssyncset.done $0x0  }
0x90: {  	s8 =	rddreg [dreg:$0x9];
	[sflag:s18] =	ssyncadd.s32 $0xFFFFE000  }
0x91: {  	[spmem:s2] =	stream.indirect.scatter.add.f32 [tilespmem:s13], [sflag:$0x6], $0x80, s8, s12, $0xb8;
	[tilespmem:$0x1EC00] =	vst v63  }
0x92: {  	_ =	swait.ge [sflag:s19], $0x2000  }
0x93: {  	[sflag:s19] =	ssyncset.done $0x0  }
0x94: {  	s8 =	rddreg [dreg:$0xa];
	[sflag:s19] =	ssyncadd.s32 $0xFFFFE000  }
0x95: {  	[tilespmem:s13], [sflag:$0x1] =	stream.indirect.gather [hbm4b:s1+s12], $0x80, s8, s12, $0xb8;
	[tilespmem:$0x1EC00] =	vst v63  }
0x96: {  	_ =	swait.ge [sflag:s20], $0x2000  }
0x97: {  	[sflag:s20] =	ssyncset.done $0x0  }
0x98: {  	s8 =	rddreg [dreg:$0xb];
	[sflag:s20] =	ssyncadd.s32 $0xFFFFE000  }
0x99: {  	[spmem:s2] =	stream.indirect.scatter.add.f32 [tilespmem:s14], [sflag:$0x7], $0x80, s8, s12, $0xb8;
	[tilespmem:$0x1EC00] =	vst v63  }
0x9a: {  	_ =	swait.ge [sflag:s21], $0x2000  }
0x9b: {  	[sflag:s21] =	ssyncset.done $0x0  }
0x9c: {  	s8 =	rddreg [dreg:$0xc];
	[sflag:s21] =	ssyncadd.s32 $0xFFFFE000  }
0x9d: {  	[tilespmem:s14], [sflag:$0x2] =	stream.indirect.gather [hbm4b:s1+s12], $0x80, s8, s12, $0xb8;
	[tilespmem:$0x1EC00] =	vst v63  }
0x9e: {  	_ =	swait.ge [sflag:s22], $0x2000  }
0x9f: {  	[sflag:s22] =	ssyncset.done $0x0  }
0xa0: {  	s8 =	rddreg [dreg:$0xd];
	[sflag:s22] =	ssyncadd.s32 $0xFFFFE000  }
0xa1: {  	[spmem:s2] =	stream.indirect.scatter.add.f32 [tilespmem:s15], [sflag:$0x8], $0x80, s8, s12, $0xb8;
	[tilespmem:$0x1EC00] =	vst v63  }
0xa2: {  	_ =	swait.ge [sflag:s23], $0x2000  }
0xa3: {  	[sflag:s23] =	ssyncset.done $0x0  }
0xa4: {  	s8 =	rddreg [dreg:$0xe];
	[sflag:s23] =	ssyncadd.s32 $0xFFFFE000  }
0xa5: {  	[tilespmem:s15], [sflag:$0x3] =	stream.indirect.gather [hbm4b:s1+s12], $0x80, s8, s12, $0xb8;
	[tilespmem:$0x1EC00] =	vst v63  }
0xa6: {  	_ =	swait.ge [sflag:s24], $0x2000  }
0xa7: {  	[sflag:s24] =	ssyncset.done $0x0  }
0xa8: {  	s8 =	rddreg [dreg:$0xf];
	[sflag:s24] =	ssyncadd.s32 $0xFFFFE000  }
0xa9: {  	[spmem:s2] =	stream.indirect.scatter.add.f32 [tilespmem:s16], [sflag:$0x9], $0x80, s8, s12, $0xb8;
	[tilespmem:$0x1EC00] =	vst v63  }
0xaa: {  	_ =	swait.ge [sflag:s25], $0x2000  }
0xab: {  	[sflag:s25] =	ssyncset.done $0x0  }
0xac: {  	s8 =	rddreg [dreg:$0x10];
	[sflag:s25] =	ssyncadd.s32 $0xFFFFE000  }
0xad: {  	[tilespmem:s16], [sflag:$0x4] =	stream.indirect.gather [hbm4b:s1+s12], $0x80, s8, s12, $0xb8;
	[tilespmem:$0x1EC00] =	vst v63  }
0xae: {  	_ =	swait.ge [sflag:s26], $0x2000  }
0xaf: {  	[sflag:s26] =	ssyncset.done $0x0  }
0xb0: {  	[sflag:s26] =	ssyncadd.s32 $0xFFFFE000  }
0xb1: {  	[spmem:s2] =	stream.indirect.scatter.add.f32 [tilespmem:s17], [sflag:$0xA], $0x80, s28, s12, $0xb8;
	[tilespmem:$0x1EC00] =	vst v63  }
0xb2: {  	_ =	swait.ge [sflag:s29], $0x2000  }
0xb3: {  	[sflag:s29] =	ssyncset.done $0x0  }
0xb4: {  	[sflag:s29] =	ssyncadd.s32 $0xFFFFE000  }
0xb5: {  	[tilespmem:s17], [sflag:$0x5] =	stream.indirect.gather [hbm4b:s1+s12], $0x80, s30, s12, $0xb8;
	[tilespmem:$0x1EC00] =	vst v63  }
0xb6: {  	_ =	swait.ge [sflag:s18], $0x2000  }
0xb7: {  	[sflag:s18] =	ssyncset.done $0x0  }
0xb8: {  	[sflag:s18] =	ssyncadd.s32 $0xFFFFE000  }
0xb9: {  	[spmem:s2] =	stream.indirect.scatter.add.f32 [tilespmem:s13], [sflag:$0x6], $0x80, s31, s12, $0xb8;
	[tilespmem:$0x1EC00] =	vst v63  }
0xba: {  	_ =	swait.ge [sflag:s19], $0x2000  }
0xbb: {  	[sflag:s19] =	ssyncset.done $0x0  }
0xbc: {  	[sflag:s19] =	ssyncadd.s32 $0xFFFFE000  }
0xbd: {  	_ =	swait.ge [sflag:s20], $0x2000  }
0xbe: {  	[sflag:s20] =	ssyncset.done $0x0  }
0xbf: {  	[sflag:s20] =	ssyncadd.s32 $0xFFFFE000  }
0xc0: {  	[spmem:s2] =	stream.indirect.scatter.add.f32 [tilespmem:s14], [sflag:$0x7], $0x80, s0, s12, $0xb8;
	[tilespmem:$0x1EC00] =	vst v63  }
0xc1: {  	_ =	swait.ge [sflag:s21], $0x2000  }
0xc2: {  	[sflag:s21] =	ssyncset.done $0x0  }
0xc3: {  	[sflag:s21] =	ssyncadd.s32 $0xFFFFE000  }
0xc4: {  	_ =	swait.ge [sflag:s22], $0x2000  }
0xc5: {  	[sflag:s22] =	ssyncset.done $0x0  }
0xc6: {  	[sflag:s22] =	ssyncadd.s32 $0xFFFFE000  }
0xc7: {  	[spmem:s2] =	stream.indirect.scatter.add.f32 [tilespmem:s15], [sflag:$0x8], $0x80, s3, s12, $0xb8;
	[tilespmem:$0x1EC00] =	vst v63  }
0xc8: {  	_ =	swait.ge [sflag:s23], $0x2000  }
0xc9: {  	[sflag:s23] =	ssyncset.done $0x0  }
0xca: {  	[sflag:s23] =	ssyncadd.s32 $0xFFFFE000  }
0xcb: {  	_ =	swait.ge [sflag:s24], $0x2000  }
0xcc: {  	[sflag:s24] =	ssyncset.done $0x0  }
0xcd: {  	[sflag:s24] =	ssyncadd.s32 $0xFFFFE000  }
0xce: {  	[spmem:s2] =	stream.indirect.scatter.add.f32 [tilespmem:s16], [sflag:$0x9], $0x80, s5, s12, $0xb8;
	[tilespmem:$0x1EC00] =	vst v63  }
0xcf: {  	_ =	swait.ge [sflag:s25], $0x2000  }
0xd0: {  	[sflag:s25] =	ssyncset.done $0x0  }
0xd1: {  	[sflag:s25] =	ssyncadd.s32 $0xFFFFE000  }
0xd2: {  	p0 =	sne.s32 s9, $0x1680;
	_ =	swait.ge [sflag:s26], $0x2000  }
.Ltmp0:
0xd3: {  	[sflag:s26] =	ssyncset.done $0x0;
	(pc) =	sbr.rel @p0 .LBB2_2-.Ltmp0, $4  }
0xd4: {  	[sflag:s26] =	ssyncadd.s32 $0xFFFFE000  }
0xd5: {  	[spmem:s2] =	stream.indirect.scatter.add.f32 [tilespmem:s17], [sflag:$0xA], $0x80, s7, s12, $0xb8;
	[tilespmem:$0x1EC00] =	vst v63  }
0xd6: {  	_ =	swait.ge [sflag:s29], $0x2000  }
0xd7: {  	s9 =	sadd.s32 $0x180, s9;
	s8 =	rddreg [dreg:$0x4];
	[sflag:s29] =	ssyncset.done $0x0  }
0xd8: {  	[sflag:s29] =	ssyncadd.s32 $0xFFFFE000;
	s4 =	sadd.s32 s6, s8;
	s9 =	simm.s32 $0x0  }
0xd9: {  	[tilespmem:s11], [sflag:$0xB] =	stream.linear.gather [hbm4b:s4+s9], $0xA00, $0x38;
	[tilespmem:$0x1EC00] =	vst v63  }
0xda: {  	_ =	swait.ge [sflag:s10], $0xA00  }
0xdb: {  	[sflag:s10] =	ssyncset.done $0x0  }
0xdc: {  	[sflag:s10] =	ssyncadd.s32 $0xFFFFF600  }
0xdd: {  	[tilespmem:s13], [sflag:$0x1] =	stream.indirect.gather [hbm4b:s1+s12], $0x80, s11, s12, $0xb8;
	[tilespmem:$0x1EC00] =	vst v63  }
0xde: {  	s8 =	rddreg [dreg:$0x5]  }
0xdf: {  	[tilespmem:s14], [sflag:$0x2] =	stream.indirect.gather [hbm4b:s1+s12], $0x80, s8, s12, $0xb8;
	[tilespmem:$0x1EC00] =	vst v63  }
0xe0: {  	s9 =	rddreg [dreg:$0x6]  }
0xe1: {  	[tilespmem:s15], [sflag:$0x3] =	stream.indirect.gather [hbm4b:s1+s12], $0x80, s9, s12, $0xb8;
	[tilespmem:$0x1EC00] =	vst v63  }
0xe2: {  	s8 =	rddreg [dreg:$0x7]  }
0xe3: {  	[tilespmem:s16], [sflag:$0x4] =	stream.indirect.gather [hbm4b:s1+s12], $0x80, s8, s12, $0xb8;
	[tilespmem:$0x1EC00] =	vst v63  }
0xe4: {  	s9 =	rddreg [dreg:$0x8]  }
0xe5: {  	[tilespmem:s17], [sflag:$0x5] =	stream.indirect.gather [hbm4b:s1+s12], $0x80, s9, s12, $0xb8;
	[tilespmem:$0x1EC00] =	vst v63  }
0xe6: {  	_ =	swait.ge [sflag:s18], $0x2000  }
0xe7: {  	[sflag:s18] =	ssyncset.done $0x0  }
0xe8: {  	s6 =	rddreg [dreg:$0x9];
	[sflag:s18] =	ssyncadd.s32 $0xFFFFE000  }
0xe9: {  	[spmem:s2] =	stream.indirect.scatter.add.f32 [tilespmem:s13], [sflag:$0x6], $0x80, s6, s12, $0xb8;
	[tilespmem:$0x1EC00] =	vst v63  }
0xea: {  	_ =	swait.ge [sflag:s19], $0x2000  }
0xeb: {  	[sflag:s19] =	ssyncset.done $0x0  }
0xec: {  	s8 =	rddreg [dreg:$0xa];
	[sflag:s19] =	ssyncadd.s32 $0xFFFFE000  }
0xed: {  	[tilespmem:s13], [sflag:$0x1] =	stream.indirect.gather [hbm4b:s1+s12], $0x80, s8, s12, $0xb8;
	[tilespmem:$0x1EC00] =	vst v63  }
0xee: {  	_ =	swait.ge [sflag:s20], $0x2000  }
0xef: {  	[sflag:s20] =	ssyncset.done $0x0  }
0xf0: {  	s9 =	rddreg [dreg:$0xb];
	[sflag:s20] =	ssyncadd.s32 $0xFFFFE000  }
0xf1: {  	[spmem:s2] =	stream.indirect.scatter.add.f32 [tilespmem:s14], [sflag:$0x7], $0x80, s9, s12, $0xb8;
	[tilespmem:$0x1EC00] =	vst v63  }
0xf2: {  	_ =	swait.ge [sflag:s21], $0x2000  }
0xf3: {  	[sflag:s21] =	ssyncset.done $0x0  }
0xf4: {  	s6 =	rddreg [dreg:$0xc];
	[sflag:s21] =	ssyncadd.s32 $0xFFFFE000  }
0xf5: {  	[tilespmem:s14], [sflag:$0x2] =	stream.indirect.gather [hbm4b:s1+s12], $0x80, s6, s12, $0xb8;
	[tilespmem:$0x1EC00] =	vst v63  }
0xf6: {  	_ =	swait.ge [sflag:s22], $0x2000  }
0xf7: {  	[sflag:s22] =	ssyncset.done $0x0  }
0xf8: {  	s8 =	rddreg [dreg:$0xd];
	[sflag:s22] =	ssyncadd.s32 $0xFFFFE000  }
0xf9: {  	[spmem:s2] =	stream.indirect.scatter.add.f32 [tilespmem:s15], [sflag:$0x8], $0x80, s8, s12, $0xb8;
	[tilespmem:$0x1EC00] =	vst v63  }
0xfa: {  	_ =	swait.ge [sflag:s23], $0x2000  }
0xfb: {  	[sflag:s23] =	ssyncset.done $0x0  }
0xfc: {  	s9 =	rddreg [dreg:$0xe];
	[sflag:s23] =	ssyncadd.s32 $0xFFFFE000  }
0xfd: {  	[tilespmem:s15], [sflag:$0x3] =	stream.indirect.gather [hbm4b:s1+s12], $0x80, s9, s12, $0xb8;
	[tilespmem:$0x1EC00] =	vst v63  }
0xfe: {  	_ =	swait.ge [sflag:s24], $0x2000  }
0xff: {  	[sflag:s24] =	ssyncset.done $0x0  }
0x100: {  	s6 =	rddreg [dreg:$0xf];
	[sflag:s24] =	ssyncadd.s32 $0xFFFFE000  }
0x101: {  	[spmem:s2] =	stream.indirect.scatter.add.f32 [tilespmem:s16], [sflag:$0x9], $0x80, s6, s12, $0xb8;
	[tilespmem:$0x1EC00] =	vst v63  }
0x102: {  	_ =	swait.ge [sflag:s25], $0x2000  }
0x103: {  	[sflag:s25] =	ssyncset.done $0x0  }
0x104: {  	s8 =	rddreg [dreg:$0x10];
	[sflag:s25] =	ssyncadd.s32 $0xFFFFE000  }
0x105: {  	[tilespmem:s16], [sflag:$0x4] =	stream.indirect.gather [hbm4b:s1+s12], $0x80, s8, s12, $0xb8;
	[tilespmem:$0x1EC00] =	vst v63  }
0x106: {  	_ =	swait.ge [sflag:s26], $0x2000  }
0x107: {  	[sflag:s26] =	ssyncset.done $0x0  }
0x108: {  	[sflag:s26] =	ssyncadd.s32 $0xFFFFE000  }
0x109: {  	[spmem:s2] =	stream.indirect.scatter.add.f32 [tilespmem:s17], [sflag:$0xA], $0x80, s28, s12, $0xb8;
	[tilespmem:$0x1EC00] =	vst v63  }
0x10a: {  	_ =	swait.ge [sflag:s29], $0x2000  }
0x10b: {  	[sflag:s29] =	ssyncset.done $0x0  }
0x10c: {  	[sflag:s29] =	ssyncadd.s32 $0xFFFFE000  }
0x10d: {  	[tilespmem:s17], [sflag:$0x5] =	stream.indirect.gather [hbm4b:s1+s12], $0x80, s30, s12, $0xb8;
	[tilespmem:$0x1EC00] =	vst v63  }
0x10e: {  	_ =	swait.ge [sflag:s18], $0x2000  }
0x10f: {  	[sflag:s18] =	ssyncset.done $0x0  }
0x110: {  	[sflag:s18] =	ssyncadd.s32 $0xFFFFE000  }
0x111: {  	[spmem:s2] =	stream.indirect.scatter.add.f32 [tilespmem:s13], [sflag:$0x6], $0x80, s31, s12, $0xb8;
	[tilespmem:$0x1EC00] =	vst v63  }
0x112: {  	_ =	swait.ge [sflag:s19], $0x2000  }
0x113: {  	[sflag:s19] =	ssyncset.done $0x0  }
0x114: {  	[sflag:s19] =	ssyncadd.s32 $0xFFFFE000  }
0x115: {  	_ =	swait.ge [sflag:s20], $0x2000  }
0x116: {  	[sflag:s20] =	ssyncset.done $0x0  }
0x117: {  	[sflag:s20] =	ssyncadd.s32 $0xFFFFE000  }
0x118: {  	[spmem:s2] =	stream.indirect.scatter.add.f32 [tilespmem:s14], [sflag:$0x7], $0x80, s0, s12, $0xb8;
	[tilespmem:$0x1EC00] =	vst v63  }
0x119: {  	_ =	swait.ge [sflag:s21], $0x2000  }
0x11a: {  	[sflag:s21] =	ssyncset.done $0x0  }
0x11b: {  	[sflag:s21] =	ssyncadd.s32 $0xFFFFE000  }
0x11c: {  	_ =	swait.ge [sflag:s22], $0x2000  }
0x11d: {  	[sflag:s22] =	ssyncset.done $0x0  }
0x11e: {  	[sflag:s22] =	ssyncadd.s32 $0xFFFFE000  }
0x11f: {  	[spmem:s2] =	stream.indirect.scatter.add.f32 [tilespmem:s15], [sflag:$0x8], $0x80, s3, s12, $0xb8;
	[tilespmem:$0x1EC00] =	vst v63  }
0x120: {  	_ =	swait.ge [sflag:s23], $0x2000  }
0x121: {  	[sflag:s23] =	ssyncset.done $0x0  }
0x122: {  	[sflag:s23] =	ssyncadd.s32 $0xFFFFE000  }
0x123: {  	_ =	swait.ge [sflag:s24], $0x2000  }
0x124: {  	[sflag:s24] =	ssyncset.done $0x0  }
0x125: {  	[sflag:s24] =	ssyncadd.s32 $0xFFFFE000  }
0x126: {  	[spmem:s2] =	stream.indirect.scatter.add.f32 [tilespmem:s16], [sflag:$0x9], $0x80, s5, s12, $0xb8;
	[tilespmem:$0x1EC00] =	vst v63  }
0x127: {  	_ =	swait.ge [sflag:s25], $0x2000  }
0x128: {  	[sflag:s25] =	ssyncset.done $0x0  }
0x129: {  	[sflag:s25] =	ssyncadd.s32 $0xFFFFE000  }
0x12a: {  	_ =	swait.ge [sflag:s26], $0x2000  }
0x12b: {  	[sflag:s26] =	ssyncset.done $0x0  }
0x12c: {  	[sflag:s26] =	ssyncadd.s32 $0xFFFFE000  }
0x12d: {  	[spmem:s2] =	stream.indirect.scatter.add.f32 [tilespmem:s17], [sflag:$0xA], $0x80, s7, s12, $0xb8;
	[tilespmem:$0x1EC00] =	vst v63  }
0x12e: {  	_ =	swait.ge [sflag:s29], $0x2000  }
0x12f: {  	[sflag:s29] =	ssyncset.done $0x0  }
0x130: {  	[sflag:s29] =	ssyncadd.s32 $0xFFFFE000  }
0x131: {  	[bflag:$0x0] =	sbarrier.arrive $0xFFFF  }
0x132: {  	s8 =	rddreg [dreg:$0x12]  }
0x133: {  	s9 =	rddreg [dreg:$0x13]  }
0x134: {  	s6 =	rddreg [dreg:$0x15]  }
0x135: {  	[hbm:s9], [sflag:s8] =	dma.local [spmem:s6], $0x2800  }
0x136: {  	_ =	swait.ge [sflag:s10], $0x2800  }
0x137: {  	s9 =	rddreg [dreg:$0x16]  }
0x138: {  	s4 =	rddreg [dreg:$0x14];
	s9 =	sadd.s32 $0x1, s9  }
0x139: {  	p0 =	sne.s32 s9, s4  }
.Ltmp1:
0x13a: {  	_ = 	snop;
	(pc) =	sbr.rel @p0 .LBB2_1-.Ltmp1, $3  }
0x13b: {  	_ =	sdelay $0x1  }
0x13c: {  	[sflag:s10] =	ssyncset.done $0x0  }
0x13d: {  	[sflag:s10] =	ssyncadd.s32 $0xFFFFD800  }
0x13e: {  	_ =	sfence.sel $0x180000  }
0x13f: {  	[bflag:$0x0] =	sbarrier.arrive $0xFFFF  }
0x140: {  	_ =	strace $0x90000047  }
0x141: {  	s0 =	stileid.u32;
	[bflag:$0x2] =	sbarrier.arrive $0xFFFF  }
0x142: {  	p0 =	sne.s32 s0, $0x0;
	s0 =	rddreg [dreg:$0x3]  }
0x143: {  	s0 =	sadd.s32 @!p0 $0x100000, s0  }
0x144: {  	[sflag:s0] =	ssyncadd.tile.s32 @!p0 $0x1;
	_ =	shalt  }
.Lfunc_end2:
_tile_overlayer_lowered:
.L_overlay_start_2:
0x145: {  	(tag) =	ssettag $0x2  }
0x146: {  	s0 =	rddreg [dreg:$0x0];
	s2 =	stileid.u32  }
0x147: {  	s1 =	rddreg [dreg:$0x1];
	p0 =	sne.s32 s2, $0x0  }
0x148: {  	s3 =	rddreg [dreg:$0x2];
	[bflag:$0x3] =	sbarrier.arrive $0xFFFF;
	s2 =	simm.s32 @!p0 $0x1C0B  }
0x149: {  	[timem:s3], [sflag:s2] =	dma.local @!p0 [hbm:s0], s1  }
0x14a: {  	s0 =	simm.s32 @!p0 $0xB  }
0x14b: {  	_ =	swait.ge @!p0 [sflag:s0], s1  }
0x14c: {  	s1 =	ssub.s32 @!p0 $0x0, s1;
	[sflag:s0] =	ssyncset.done @!p0 $0x0  }
0x14d: {  	[sflag:s0] =	ssyncadd.s32 @!p0 s1  }
0x14e: {  	[bflag:$0x3] =	sbarrier.arrive $0xFFFF  }
0x14f: {  	_ =	shalt  }

</sc_bundles>
